<compile_context>
chip_gen: v7x
topology: tpu7x:2x2x1
jax: 0.10.2.dev20260603
libtpu: 0.0.44.dev20260713+nightly
codegen_flags: <defaults>
</compile_context>

<pallas_src>
import functools

import jax
import jax.numpy as jnp
from jax import lax
from jax.experimental import pallas as pl
from jax.experimental.pallas import tpu as pltpu
from jax.experimental.pallas import tpu_sc as plsc

N = 10000
E = 160000
DF = 256
DH = 32
DC = 2 * DH

NC = 2
NS = 16
NW = NC * NS
CHUNK = 128
NCHUNK = 40
EPT = CHUNK * NCHUNK
E_PAD = EPT * NW
STRIPE = 632
N_PAD = NS * STRIPE
DEG_W = 16
DEG_O = 8
RB = 1000
RING = 4
NRING = NCHUNK // RING


def _deg_body(dst_hbm, ones_hbm, zeros_hbm, out_hbm, dst_v, ones_v, acc_sh,
              sem):
    c = lax.axis_index("c")
    s = lax.axis_index("s")
    wid = c * NS + s
    pltpu.sync_copy(dst_hbm.at[wid], dst_v)
    pltpu.sync_copy(ones_hbm, ones_v)
    pltpu.sync_copy(zeros_hbm, acc_sh.at[pl.ds(s * STRIPE, STRIPE)])
    plsc.subcore_barrier()

    def fire(j, carry):
        pltpu.async_copy(ones_v, acc_sh.at[dst_v.at[j]], sem, add=True)
        return carry

    lax.fori_loop(0, NCHUNK, fire, 0)

    def drain(j, carry):
        pltpu.make_async_copy(ones_v, acc_sh.at[dst_v.at[0]], sem).wait()
        return carry

    lax.fori_loop(0, NCHUNK, drain, 0)
    plsc.subcore_barrier()
    pltpu.sync_copy(acc_sh.at[pl.ds(s * STRIPE, STRIPE), 0:DEG_O],
                    out_hbm.at[c, pl.ds(s * STRIPE, STRIPE)])


def _scatter_body(src_hbm, dst_hbm, y_hbm, zeros_hbm, out_hbm,
                  src_v, dst_v, buf_a, buf_b, acc_sh,
                  gsem_a, gsem_b, ssem_a, ssem_b):
    c = lax.axis_index("c")
    s = lax.axis_index("s")
    wid = c * NS + s
    pltpu.sync_copy(src_hbm.at[wid], src_v)
    pltpu.sync_copy(dst_hbm.at[wid], dst_v)
    pltpu.sync_copy(zeros_hbm, acc_sh.at[pl.ds(s * STRIPE, STRIPE)])
    plsc.subcore_barrier()

    def fire_gathers(ring, buf, gsem):
        for b in range(RING):
            pltpu.async_copy(y_hbm.at[src_v.at[ring * RING + b]], buf.at[b], gsem)

    def drain_gathers(buf, gsem):
        for b in range(RING):
            pltpu.make_async_copy(y_hbm.at[src_v.at[0]], buf.at[b], gsem).wait()

    def fire_scatters(ring, buf, ssem):
        for b in range(RING):
            pltpu.async_copy(buf.at[b], acc_sh.at[dst_v.at[ring * RING + b]],
                             ssem, add=True)

    def drain_scatters(buf, ssem):
        for b in range(RING):
            pltpu.make_async_copy(buf.at[b], acc_sh.at[dst_v.at[0]], ssem).wait()

    fire_gathers(0, buf_a, gsem_a)

    def body(i, carry):
        ra = 2 * i
        rb = 2 * i + 1

        @pl.when(i > 0)
        def _():
            drain_scatters(buf_b, ssem_b)

        fire_gathers(rb, buf_b, gsem_b)
        drain_gathers(buf_a, gsem_a)
        fire_scatters(ra, buf_a, ssem_a)
        drain_scatters(buf_a, ssem_a)

        @pl.when(ra + 2 < NRING)
        def _():
            fire_gathers(ra + 2, buf_a, gsem_a)

        drain_gathers(buf_b, gsem_b)
        fire_scatters(rb, buf_b, ssem_b)
        return carry

    lax.fori_loop(0, NRING // 2, body, 0)
    drain_scatters(buf_b, ssem_b)
    plsc.subcore_barrier()
    pltpu.sync_copy(acc_sh.at[pl.ds(s * STRIPE, STRIPE)],
                    out_hbm.at[c, pl.ds(s * STRIPE, STRIPE)])


@functools.cache
def _sc_kernels():
    mesh = plsc.VectorSubcoreMesh(core_axis_name="c", subcore_axis_name="s")
    deg_k = pl.kernel(
        _deg_body,
        out_type=jax.ShapeDtypeStruct((NC, N_PAD, DEG_O), jnp.float32),
        mesh=mesh,
        scratch_types=[
            pltpu.VMEM((NCHUNK, CHUNK), jnp.int32),
            pltpu.VMEM((CHUNK, DEG_W), jnp.float32),
            pltpu.VMEM_SHARED((N_PAD, DEG_W), jnp.float32),
            pltpu.SemaphoreType.DMA,
        ],
        compiler_params=pltpu.CompilerParams(use_tc_tiling_on_sc=False),
    )
    scatter_k = pl.kernel(
        _scatter_body,
        out_type=jax.ShapeDtypeStruct((NC, N_PAD, DC), jnp.float32),
        mesh=mesh,
        scratch_types=[
            pltpu.VMEM((NCHUNK, CHUNK), jnp.int32),
            pltpu.VMEM((NCHUNK, CHUNK), jnp.int32),
            pltpu.VMEM((RING, CHUNK, DC), jnp.float32),
            pltpu.VMEM((RING, CHUNK, DC), jnp.float32),
            pltpu.VMEM_SHARED((N_PAD, DC), jnp.float32),
            pltpu.SemaphoreType.DMA,
            pltpu.SemaphoreType.DMA,
            pltpu.SemaphoreType.DMA,
            pltpu.SemaphoreType.DMA,
        ],
        compiler_params=pltpu.CompilerParams(use_tc_tiling_on_sc=False),
    )
    return deg_k, scatter_k


def _dis_block(deg_ref):
    deg = deg_ref[0, :, 0:1] + deg_ref[1, :, 0:1] + 1.0
    return lax.rsqrt(deg)


def _xw_body(x_ref, w_ref, deg_ref, y_ref):
    xw = jnp.dot(x_ref[...], w_ref[...], preferred_element_type=jnp.float32)
    y_ref[...] = xw * _dis_block(deg_ref)


def _xw_call(x2d, w_cat, deg3):
    return pl.pallas_call(
        _xw_body,
        grid=(N // RB,),
        in_specs=[
            pl.BlockSpec((RB, DF), lambda i: (i, 0)),
            pl.BlockSpec((DF, DC), lambda i: (0, 0)),
            pl.BlockSpec((NC, RB, DEG_O), lambda i: (0, i, 0)),
        ],
        out_specs=pl.BlockSpec((RB, DC), lambda i: (i, 0)),
        out_shape=jax.ShapeDtypeStruct((N, DC), jnp.float32),
    )(x2d, w_cat, deg3)


def _gate_body(s_ref, y_ref, deg_ref, az_ref, ah_ref, bz_ref, bh_ref,
               lzb_ref, lhb_ref, wl_ref, bl_ref, out_ref):
    ssum = s_ref[0, 0:N, :] + s_ref[1, 0:N, :]
    deg = deg_ref[0, 0:N, 0:1] + deg_ref[1, 0:N, 0:1] + 1.0
    cfull = lax.rsqrt(deg) * (ssum + y_ref[...])
    cz = cfull[:, 0:DH]
    ch = cfull[:, DH:DC]
    a_z = az_ref[...]
    a_h = ah_ref[...]
    bz = jnp.dot(bz_ref[...], a_z, preferred_element_type=jnp.float32) + lzb_ref[...]
    bh = jnp.dot(bh_ref[...], a_h, preferred_element_type=jnp.float32) + lhb_ref[...]
    z = jax.nn.sigmoid(jnp.dot(cz, a_z, preferred_element_type=jnp.float32) + bz)
    t = jnp.tanh(jnp.dot(ch, a_h, preferred_element_type=jnp.float32) + bh)
    g = (1.0 - z) * t
    out_ref[...] = jnp.dot(g, wl_ref[...], preferred_element_type=jnp.float32) + bl_ref[...]


def _gate_call(s3, y, deg3, a_z, a_h, b_z, b_h, lz_b, lh_b, w_lin, b_lin):
    return pl.pallas_call(
        _gate_body,
        out_shape=jax.ShapeDtypeStruct((N, 1), jnp.float32),
    )(s3, y, deg3, a_z, a_h, b_z, b_h, lz_b, lh_b, w_lin, b_lin)


def kernel(x, edge_index, W_z, b_z, W_r, b_r, W_h, b_h, lz_W, lz_b, lr_W,
           lr_b, lh_W, lh_b, att, W_lin, b_lin):
    x2d = x[:, :, 0]
    w_cat = jnp.concatenate([W_z, W_h], axis=1)

    k = lax.iota(jnp.int32, E_PAD - E)
    pad_src = k % 8000
    pad_dst = N + k % (N_PAD - N)
    ei_pad = jnp.concatenate([edge_index, jnp.stack([pad_src, pad_dst])],
                             axis=1)
    src3 = ei_pad[0].reshape(NW, NCHUNK, CHUNK)
    dst3 = ei_pad[1].reshape(NW, NCHUNK, CHUNK)

    ones1 = jnp.ones((CHUNK, DEG_W), jnp.float32)
    zeros1 = jnp.zeros((STRIPE, DEG_W), jnp.float32)
    zeros2 = jnp.zeros((STRIPE, DC), jnp.float32)

    deg_kernel, scatter_kernel = _sc_kernels()
    deg3 = deg_kernel(dst3, ones1, zeros1)

    y = _xw_call(x2d, w_cat, deg3)

    s3 = scatter_kernel(src3, dst3, y, zeros2)

    out2 = _gate_call(
        s3, y, deg3,
        lz_W[0:DH, :], lh_W[0:DH, :],
        b_z.reshape(1, DH), b_h.reshape(1, DH),
        lz_b.reshape(1, DH), lh_b.reshape(1, DH),
        W_lin, b_lin.reshape(1, 1),
    )
    return out2[:, 0]

# --- scband reference (transcript-rebuilt; emitter-appended) ---
"""Pipeline reference for scband-temporal-gnn-31610959299321 (READ-ONLY COPY).

The authoritative reference and input builder live on the scoring server;
editing this copy changes nothing except your own understanding.
"""

import jax, jax.numpy as jnp
import numpy as np

N_NODES = 10000
N_EDGES = 160000
D_FEAT = 256
D_HID = 32
PERIODS = 1


def _p(key, i, shape, scale=0.05):
    return jax.random.normal(jax.random.fold_in(key, i), shape, dtype=jnp.float32) * scale


def setup_inputs(seed: int = 0):
    key = jax.random.key(seed)
    inp = {}
    inp["x"] = jax.random.normal(jax.random.fold_in(key, 0), (N_NODES, D_FEAT, PERIODS), dtype=jnp.float32)
    inp["edge_index"] = jax.random.randint(jax.random.fold_in(key, 1), (2, N_EDGES), 0, N_NODES, dtype=jnp.int32)
    # TGCN GCNConv weights (in=D_FEAT, out=D_HID) for z, r, h gates
    inp["W_z"] = _p(key, 10, (D_FEAT, D_HID)); inp["b_z"] = jnp.zeros((D_HID,), jnp.float32)
    inp["W_r"] = _p(key, 11, (D_FEAT, D_HID)); inp["b_r"] = jnp.zeros((D_HID,), jnp.float32)
    inp["W_h"] = _p(key, 12, (D_FEAT, D_HID)); inp["b_h"] = jnp.zeros((D_HID,), jnp.float32)
    # TGCN linear layers: Linear(2*D_HID, D_HID)
    inp["lz_W"] = _p(key, 13, (2 * D_HID, D_HID)); inp["lz_b"] = jnp.zeros((D_HID,), jnp.float32)
    inp["lr_W"] = _p(key, 14, (2 * D_HID, D_HID)); inp["lr_b"] = jnp.zeros((D_HID,), jnp.float32)
    inp["lh_W"] = _p(key, 15, (2 * D_HID, D_HID)); inp["lh_b"] = jnp.zeros((D_HID,), jnp.float32)
    # A3TGCN attention over periods
    inp["att"] = _p(key, 16, (PERIODS,), scale=1.0)
    # Final Linear(32, 1)
    inp["W_lin"] = _p(key, 17, (D_HID, 1)); inp["b_lin"] = jnp.zeros((1,), jnp.float32)
    return inp


def _gcn_conv(x, src, dst, norm, W, b):
    # PyG GCNConv: X @ W, then symmetric-normalized scatter-add aggregation, then bias
    xw = x @ W
    msg = xw[src] * norm[:, None]
    out = jnp.zeros((x.shape[0], W.shape[1]), dtype=x.dtype).at[dst].add(msg)
    return out + b


def reference(x, edge_index, W_z, b_z, W_r, b_r, W_h, b_h, lz_W, lz_b, lr_W, lr_b, lh_W, lh_b, att, W_lin, b_lin):
    N = x.shape[0]
    loop = jnp.arange(N, dtype=edge_index.dtype)
    src = jnp.concatenate([edge_index[0], loop])
    dst = jnp.concatenate([edge_index[1], loop])
    deg = jnp.zeros((N,), dtype=x.dtype).at[dst].add(1.0)
    dis = jnp.where(deg > 0, 1.0 / jnp.sqrt(deg), 0.0)
    norm = dis[src] * dis[dst]
    H = jnp.zeros((N, D_HID), dtype=x.dtype)
    probs = jax.nn.softmax(att)
    H_accum = jnp.zeros((N, D_HID), dtype=x.dtype)
    for p in range(PERIODS):
        Xp = x[:, :, p]
        Cz = _gcn_conv(Xp, src, dst, norm, W_z, b_z)
        Z = jax.nn.sigmoid(jnp.concatenate([Cz, H], axis=1) @ lz_W + lz_b)
        Cr = _gcn_conv(Xp, src, dst, norm, W_r, b_r)
        R = jax.nn.sigmoid(jnp.concatenate([Cr, H], axis=1) @ lr_W + lr_b)
        Ch = _gcn_conv(Xp, src, dst, norm, W_h, b_h)
        Ht = jnp.tanh(jnp.concatenate([Ch, H * R], axis=1) @ lh_W + lh_b)
        Hn = Z * H + (1.0 - Z) * Ht
        H_accum = H_accum + probs[p] * Hn
    h = H_accum.reshape(-1, D_HID)
    out = h @ W_lin + b_lin
    return out.squeeze(1)

if __name__ == "__main__":
    import jax
    _d = setup_inputs()
    print(jax.jit(kernel)(*tuple(_d.values())))

</pallas_src>

<mosaic_0001>
#map = affine_map<(d0, d1) -> (0, 0, 0)>
#map1 = affine_map<(d0, d1) -> (0, 0)>
module attributes {stable_mosaic.version = 14 : i64} {
  func.func @_deg_body(%arg0: i32, %arg1: i32, %arg2: memref<32x40x128xi32, #tpu.memory_space<hbm>>, %arg3: memref<128x16xf32, #tpu.memory_space<hbm>>, %arg4: memref<632x16xf32, #tpu.memory_space<hbm>>, %arg5: memref<2x10112x8xf32, #tpu.memory_space<hbm>>, %arg6: memref<40x128xi32, #tpu.memory_space<vmem>>, %arg7: memref<128x16xf32, #tpu.memory_space<vmem>>, %arg8: memref<10112x16xf32, #tpu.memory_space<vmem_shared>>, %arg9: memref<!tpu.dma_semaphore, #tpu.memory_space<semaphore_mem>>) attributes {dimension_semantics = [#tpu.dimension_semantics<core_parallel>, #tpu.dimension_semantics<subcore_parallel>], iteration_bounds = array<i64: 2, 16>, scalar_prefetch = 0 : i64, scratch_operands = 4 : i64, tpu.core_type = #tpu.core_type<sc_vector_subcore>, window_params = [{transform_indices = #map}, {transform_indices = #map1}, {transform_indices = #map1}, {transform_indices = #map}]} {
    %mul3A = arith.constant 16 : i32
    %mul3A_0 = arith.muli %arg0, %mul3A : i32
    %add3A = arith.addi %mul3A_0, %arg1 : i32
    "tpu.region"() ({
      %run_scoped3A = tpu.sem_alloc : memref<!tpu.dma_semaphore, #tpu.memory_space<semaphore_mem>>
      %dma_start3A = arith.constant 0 : i32
      %dma_start3A_19 = arith.constant 0 : i32
      %dma_start3A_20 = tpu.memref_slice %arg2[%add3A, %dma_start3A, %dma_start3A_19] : memref<32x40x128xi32, #tpu.memory_space<hbm>> -> memref<1x40x128xi32, #tpu.memory_space<hbm>>
      %dma_start3A_21 = tpu.memref_squeeze %dma_start3A_20 : memref<1x40x128xi32, #tpu.memory_space<hbm>> -> memref<40x128xi32, #tpu.memory_space<hbm>>
      %dma_start3A_22 = arith.constant 0 : i32
      %dma_start3A_23 = arith.constant 0 : i32
      %dma_start3A_24 = tpu.memref_slice %arg2[%add3A, %dma_start3A_22, %dma_start3A_23] : memref<32x40x128xi32, #tpu.memory_space<hbm>> -> memref<1x40x128xi32, #tpu.memory_space<hbm>>
      %dma_start3A_25 = tpu.memref_squeeze %dma_start3A_24 : memref<1x40x128xi32, #tpu.memory_space<hbm>> -> memref<40x128xi32, #tpu.memory_space<hbm>>
      tpu.enqueue_dma source(%dma_start3A_25 : memref<40x128xi32, #tpu.memory_space<hbm>>) target(%arg6 : memref<40x128xi32, #tpu.memory_space<vmem>>) target_semaphore(%run_scoped3A : memref<!tpu.dma_semaphore, #tpu.memory_space<semaphore_mem>>)
      %dma_wait3A = arith.constant 0 : i32
      %dma_wait3A_26 = arith.constant 0 : i32
      %dma_wait3A_27 = tpu.memref_slice %arg2[%add3A, %dma_wait3A, %dma_wait3A_26] : memref<32x40x128xi32, #tpu.memory_space<hbm>> -> memref<1x40x128xi32, #tpu.memory_space<hbm>>
      %dma_wait3A_28 = tpu.memref_squeeze %dma_wait3A_27 : memref<1x40x128xi32, #tpu.memory_space<hbm>> -> memref<40x128xi32, #tpu.memory_space<hbm>>
      %dma_wait3A_29 = arith.constant 0 : i32
      %dma_wait3A_30 = arith.constant 0 : i32
      %dma_wait3A_31 = tpu.memref_slice %arg2[%add3A, %dma_wait3A_29, %dma_wait3A_30] : memref<32x40x128xi32, #tpu.memory_space<hbm>> -> memref<1x40x128xi32, #tpu.memory_space<hbm>>
      %dma_wait3A_32 = tpu.memref_squeeze %dma_wait3A_31 : memref<1x40x128xi32, #tpu.memory_space<hbm>> -> memref<40x128xi32, #tpu.memory_space<hbm>>
      tpu.wait_dma2 semaphore(%run_scoped3A : memref<!tpu.dma_semaphore, #tpu.memory_space<semaphore_mem>>) src(%dma_wait3A_32 : memref<40x128xi32, #tpu.memory_space<hbm>>) dst(%arg6 : memref<40x128xi32, #tpu.memory_space<vmem>>)
      tpu.yield
    }) : () -> ()
    "tpu.region"() ({
      %run_scoped3A = tpu.sem_alloc : memref<!tpu.dma_semaphore, #tpu.memory_space<semaphore_mem>>
      tpu.enqueue_dma source(%arg3 : memref<128x16xf32, #tpu.memory_space<hbm>>) target(%arg7 : memref<128x16xf32, #tpu.memory_space<vmem>>) target_semaphore(%run_scoped3A : memref<!tpu.dma_semaphore, #tpu.memory_space<semaphore_mem>>)
      tpu.wait_dma2 semaphore(%run_scoped3A : memref<!tpu.dma_semaphore, #tpu.memory_space<semaphore_mem>>) src(%arg3 : memref<128x16xf32, #tpu.memory_space<hbm>>) dst(%arg7 : memref<128x16xf32, #tpu.memory_space<vmem>>)
      tpu.yield
    }) : () -> ()
    %mul3A_1 = arith.constant 632 : i32
    %mul3A_2 = arith.muli %arg1, %mul3A_1 : i32
    "tpu.region"() ({
      %run_scoped3A = tpu.sem_alloc : memref<!tpu.dma_semaphore, #tpu.memory_space<semaphore_mem>>
      %dma_start3A = arith.constant 0 : i32
      %dma_start3A_19 = tpu.memref_slice %arg8[%mul3A_2, %dma_start3A] : memref<10112x16xf32, #tpu.memory_space<vmem_shared>> -> memref<632x16xf32, #tpu.memory_space<vmem_shared>>
      tpu.enqueue_dma source(%arg4 : memref<632x16xf32, #tpu.memory_space<hbm>>) target(%dma_start3A_19 : memref<632x16xf32, #tpu.memory_space<vmem_shared>>) target_semaphore(%run_scoped3A : memref<!tpu.dma_semaphore, #tpu.memory_space<semaphore_mem>>)
      %dma_wait3A = arith.constant 0 : i32
      %dma_wait3A_20 = tpu.memref_slice %arg8[%mul3A_2, %dma_wait3A] : memref<10112x16xf32, #tpu.memory_space<vmem_shared>> -> memref<632x16xf32, #tpu.memory_space<vmem_shared>>
      tpu.wait_dma2 semaphore(%run_scoped3A : memref<!tpu.dma_semaphore, #tpu.memory_space<semaphore_mem>>) src(%arg4 : memref<632x16xf32, #tpu.memory_space<hbm>>) dst(%dma_wait3A_20 : memref<632x16xf32, #tpu.memory_space<vmem_shared>>)
      tpu.yield
    }) : () -> ()
    %barrier3A = arith.constant 0 : index
    tpu.barrier barrier_id(%barrier3A)
    %scan3A = arith.constant 0 : i32
    %scan3A_3 = arith.constant 0 : i32
    %scan3A_4 = arith.constant 40 : i32
    %scan3A_5 = arith.addi %scan3A_3, %scan3A_4 : i32
    %scan3A_6 = arith.constant 1 : i32
    scf.for %scan3A_19 = %scan3A_3 to %scan3A_5 step %scan3A_6  : i32 {
      %dma_start3A = arith.constant 0 : i32
      %dma_start3A_20 = tpu.memref_slice %arg6[%scan3A_19, %dma_start3A] : memref<40x128xi32, #tpu.memory_space<vmem>> -> memref<1x128xi32, #tpu.memory_space<vmem>>
      %dma_start3A_21 = tpu.memref_squeeze %dma_start3A_20 : memref<1x128xi32, #tpu.memory_space<vmem>> -> memref<128xi32, #tpu.memory_space<vmem>>
      %dma_start3A_22 = arith.constant 0 : i32
      %dma_start3A_23 = arith.constant 0 : i32
      %dma_start3A_24 = tpu.memref_slice %arg8[%dma_start3A_22, %dma_start3A_23] : memref<10112x16xf32, #tpu.memory_space<vmem_shared>> -> memref<10112x16xf32, #tpu.memory_space<vmem_shared>>
      tpu.enqueue_indirect_dma source(%arg7 : memref<128x16xf32, #tpu.memory_space<vmem>>) target(%dma_start3A_24 : memref<10112x16xf32, #tpu.memory_space<vmem_shared>>) offsets(%dma_start3A_21 : memref<128xi32, #tpu.memory_space<vmem>>) semaphore(%arg9 : memref<!tpu.dma_semaphore, #tpu.memory_space<semaphore_mem>>) {add = true}
    }
    %scan3A_7 = arith.constant 40 : i32
    %scan3A_8 = arith.constant 0 : i32
    %scan3A_9 = arith.constant 0 : i32
    %scan3A_10 = arith.constant 40 : i32
    %scan3A_11 = arith.addi %scan3A_9, %scan3A_10 : i32
    %scan3A_12 = arith.constant 1 : i32
    scf.for %scan3A_19 = %scan3A_9 to %scan3A_11 step %scan3A_12  : i32 {
      %dma_wait3A = arith.constant 0 : i32
      %dma_wait3A_20 = arith.constant 0 : i32
      %dma_wait3A_21 = tpu.memref_slice %arg6[%dma_wait3A, %dma_wait3A_20] : memref<40x128xi32, #tpu.memory_space<vmem>> -> memref<1x128xi32, #tpu.memory_space<vmem>>
      %dma_wait3A_22 = tpu.memref_squeeze %dma_wait3A_21 : memref<1x128xi32, #tpu.memory_space<vmem>> -> memref<128xi32, #tpu.memory_space<vmem>>
      %dma_wait3A_23 = arith.constant 0 : i32
      %dma_wait3A_24 = arith.constant 0 : i32
      %dma_wait3A_25 = tpu.memref_slice %arg8[%dma_wait3A_23, %dma_wait3A_24] : memref<10112x16xf32, #tpu.memory_space<vmem_shared>> -> memref<10112x16xf32, #tpu.memory_space<vmem_shared>>
      tpu.wait_indirect_dma semaphore(%arg9 : memref<!tpu.dma_semaphore, #tpu.memory_space<semaphore_mem>>) src(%arg7 : memref<128x16xf32, #tpu.memory_space<vmem>>) dst(%dma_wait3A_25 : memref<10112x16xf32, #tpu.memory_space<vmem_shared>>)
    }
    %scan3A_13 = arith.constant 40 : i32
    %barrier3A_14 = arith.constant 0 : index
    tpu.barrier barrier_id(%barrier3A_14)
    %mul3A_15 = arith.constant 632 : i32
    %mul3A_16 = arith.muli %arg1, %mul3A_15 : i32
    %mul3A_17 = arith.constant 632 : i32
    %mul3A_18 = arith.muli %arg1, %mul3A_17 : i32
    "tpu.region"() ({
      %run_scoped3A = tpu.sem_alloc : memref<!tpu.dma_semaphore, #tpu.memory_space<semaphore_mem>>
      %dma_start3A = arith.constant 0 : i32
      %dma_start3A_19 = tpu.memref_slice %arg5[%arg0, %mul3A_18, %dma_start3A] : memref<2x10112x8xf32, #tpu.memory_space<hbm>> -> memref<1x632x8xf32, #tpu.memory_space<hbm>>
      %dma_start3A_20 = tpu.memref_squeeze %dma_start3A_19 : memref<1x632x8xf32, #tpu.memory_space<hbm>> -> memref<632x8xf32, #tpu.memory_space<hbm>>
      %dma_start3A_21 = arith.constant 0 : i32
      %dma_start3A_22 = tpu.memref_slice %arg8[%mul3A_16, %dma_start3A_21] : memref<10112x16xf32, #tpu.memory_space<vmem_shared>> -> memref<632x8xf32, #tpu.memory_space<vmem_shared>>
      tpu.enqueue_dma source(%dma_start3A_22 : memref<632x8xf32, #tpu.memory_space<vmem_shared>>) target(%dma_start3A_20 : memref<632x8xf32, #tpu.memory_space<hbm>>) target_semaphore(%run_scoped3A : memref<!tpu.dma_semaphore, #tpu.memory_space<semaphore_mem>>)
      %dma_wait3A = arith.constant 0 : i32
      %dma_wait3A_23 = tpu.memref_slice %arg5[%arg0, %mul3A_18, %dma_wait3A] : memref<2x10112x8xf32, #tpu.memory_space<hbm>> -> memref<1x632x8xf32, #tpu.memory_space<hbm>>
      %dma_wait3A_24 = tpu.memref_squeeze %dma_wait3A_23 : memref<1x632x8xf32, #tpu.memory_space<hbm>> -> memref<632x8xf32, #tpu.memory_space<hbm>>
      %dma_wait3A_25 = arith.constant 0 : i32
      %dma_wait3A_26 = tpu.memref_slice %arg8[%mul3A_16, %dma_wait3A_25] : memref<10112x16xf32, #tpu.memory_space<vmem_shared>> -> memref<632x8xf32, #tpu.memory_space<vmem_shared>>
      tpu.wait_dma2 semaphore(%run_scoped3A : memref<!tpu.dma_semaphore, #tpu.memory_space<semaphore_mem>>) src(%dma_wait3A_26 : memref<632x8xf32, #tpu.memory_space<vmem_shared>>) dst(%dma_wait3A_24 : memref<632x8xf32, #tpu.memory_space<hbm>>)
      tpu.yield
    }) : () -> ()
    return
  }
}

#map = affine_map<(d0, d1) -> (0, 0, 0)>
#map1 = affine_map<(d0, d1) -> (0, 0)>
module attributes {stable_mosaic.version = 14 : i64} {
  func.func @_scatter_body(%arg0: i32, %arg1: i32, %arg2: memref<32x40x128xi32, #tpu.memory_space<hbm>>, %arg3: memref<32x40x128xi32, #tpu.memory_space<hbm>>, %arg4: memref<10000x64xf32, #tpu.memory_space<hbm>>, %arg5: memref<632x64xf32, #tpu.memory_space<hbm>>, %arg6: memref<2x10112x64xf32, #tpu.memory_space<hbm>>, %arg7: memref<40x128xi32, #tpu.memory_space<vmem>>, %arg8: memref<40x128xi32, #tpu.memory_space<vmem>>, %arg9: memref<4x128x64xf32, #tpu.memory_space<vmem>>, %arg10: memref<4x128x64xf32, #tpu.memory_space<vmem>>, %arg11: memref<10112x64xf32, #tpu.memory_space<vmem_shared>>, %arg12: memref<!tpu.dma_semaphore, #tpu.memory_space<semaphore_mem>>, %arg13: memref<!tpu.dma_semaphore, #tpu.memory_space<semaphore_mem>>, %arg14: memref<!tpu.dma_semaphore, #tpu.memory_space<semaphore_mem>>, %arg15: memref<!tpu.dma_semaphore, #tpu.memory_space<semaphore_mem>>) attributes {dimension_semantics = [#tpu.dimension_semantics<core_parallel>, #tpu.dimension_semantics<subcore_parallel>], iteration_bounds = array<i64: 2, 16>, scalar_prefetch = 0 : i64, scratch_operands = 9 : i64, tpu.core_type = #tpu.core_type<sc_vector_subcore>, window_params = [{transform_indices = #map}, {transform_indices = #map}, {transform_indices = #map1}, {transform_indices = #map1}, {transform_indices = #map}]} {
    %mul3A = arith.constant 16 : i32
    %mul3A_0 = arith.muli %arg0, %mul3A : i32
    %add3A = arith.addi %mul3A_0, %arg1 : i32
    "tpu.region"() ({
      %run_scoped3A = tpu.sem_alloc : memref<!tpu.dma_semaphore, #tpu.memory_space<semaphore_mem>>
      %dma_start3A_107 = arith.constant 0 : i32
      %dma_start3A_108 = arith.constant 0 : i32
      %dma_start3A_109 = tpu.memref_slice %arg2[%add3A, %dma_start3A_107, %dma_start3A_108] : memref<32x40x128xi32, #tpu.memory_space<hbm>> -> memref<1x40x128xi32, #tpu.memory_space<hbm>>
      %dma_start3A_110 = tpu.memref_squeeze %dma_start3A_109 : memref<1x40x128xi32, #tpu.memory_space<hbm>> -> memref<40x128xi32, #tpu.memory_space<hbm>>
      %dma_start3A_111 = arith.constant 0 : i32
      %dma_start3A_112 = arith.constant 0 : i32
      %dma_start3A_113 = tpu.memref_slice %arg2[%add3A, %dma_start3A_111, %dma_start3A_112] : memref<32x40x128xi32, #tpu.memory_space<hbm>> -> memref<1x40x128xi32, #tpu.memory_space<hbm>>
      %dma_start3A_114 = tpu.memref_squeeze %dma_start3A_113 : memref<1x40x128xi32, #tpu.memory_space<hbm>> -> memref<40x128xi32, #tpu.memory_space<hbm>>
      tpu.enqueue_dma source(%dma_start3A_114 : memref<40x128xi32, #tpu.memory_space<hbm>>) target(%arg7 : memref<40x128xi32, #tpu.memory_space<vmem>>) target_semaphore(%run_scoped3A : memref<!tpu.dma_semaphore, #tpu.memory_space<semaphore_mem>>)
      %dma_wait3A_115 = arith.constant 0 : i32
      %dma_wait3A_116 = arith.constant 0 : i32
      %dma_wait3A_117 = tpu.memref_slice %arg2[%add3A, %dma_wait3A_115, %dma_wait3A_116] : memref<32x40x128xi32, #tpu.memory_space<hbm>> -> memref<1x40x128xi32, #tpu.memory_space<hbm>>
      %dma_wait3A_118 = tpu.memref_squeeze %dma_wait3A_117 : memref<1x40x128xi32, #tpu.memory_space<hbm>> -> memref<40x128xi32, #tpu.memory_space<hbm>>
      %dma_wait3A_119 = arith.constant 0 : i32
      %dma_wait3A_120 = arith.constant 0 : i32
      %dma_wait3A_121 = tpu.memref_slice %arg2[%add3A, %dma_wait3A_119, %dma_wait3A_120] : memref<32x40x128xi32, #tpu.memory_space<hbm>> -> memref<1x40x128xi32, #tpu.memory_space<hbm>>
      %dma_wait3A_122 = tpu.memref_squeeze %dma_wait3A_121 : memref<1x40x128xi32, #tpu.memory_space<hbm>> -> memref<40x128xi32, #tpu.memory_space<hbm>>
      tpu.wait_dma2 semaphore(%run_scoped3A : memref<!tpu.dma_semaphore, #tpu.memory_space<semaphore_mem>>) src(%dma_wait3A_122 : memref<40x128xi32, #tpu.memory_space<hbm>>) dst(%arg7 : memref<40x128xi32, #tpu.memory_space<vmem>>)
      tpu.yield
    }) : () -> ()
    "tpu.region"() ({
      %run_scoped3A = tpu.sem_alloc : memref<!tpu.dma_semaphore, #tpu.memory_space<semaphore_mem>>
      %dma_start3A_107 = arith.constant 0 : i32
      %dma_start3A_108 = arith.constant 0 : i32
      %dma_start3A_109 = tpu.memref_slice %arg3[%add3A, %dma_start3A_107, %dma_start3A_108] : memref<32x40x128xi32, #tpu.memory_space<hbm>> -> memref<1x40x128xi32, #tpu.memory_space<hbm>>
      %dma_start3A_110 = tpu.memref_squeeze %dma_start3A_109 : memref<1x40x128xi32, #tpu.memory_space<hbm>> -> memref<40x128xi32, #tpu.memory_space<hbm>>
      %dma_start3A_111 = arith.constant 0 : i32
      %dma_start3A_112 = arith.constant 0 : i32
      %dma_start3A_113 = tpu.memref_slice %arg3[%add3A, %dma_start3A_111, %dma_start3A_112] : memref<32x40x128xi32, #tpu.memory_space<hbm>> -> memref<1x40x128xi32, #tpu.memory_space<hbm>>
      %dma_start3A_114 = tpu.memref_squeeze %dma_start3A_113 : memref<1x40x128xi32, #tpu.memory_space<hbm>> -> memref<40x128xi32, #tpu.memory_space<hbm>>
      tpu.enqueue_dma source(%dma_start3A_114 : memref<40x128xi32, #tpu.memory_space<hbm>>) target(%arg8 : memref<40x128xi32, #tpu.memory_space<vmem>>) target_semaphore(%run_scoped3A : memref<!tpu.dma_semaphore, #tpu.memory_space<semaphore_mem>>)
      %dma_wait3A_115 = arith.constant 0 : i32
      %dma_wait3A_116 = arith.constant 0 : i32
      %dma_wait3A_117 = tpu.memref_slice %arg3[%add3A, %dma_wait3A_115, %dma_wait3A_116] : memref<32x40x128xi32, #tpu.memory_space<hbm>> -> memref<1x40x128xi32, #tpu.memory_space<hbm>>
      %dma_wait3A_118 = tpu.memref_squeeze %dma_wait3A_117 : memref<1x40x128xi32, #tpu.memory_space<hbm>> -> memref<40x128xi32, #tpu.memory_space<hbm>>
      %dma_wait3A_119 = arith.constant 0 : i32
      %dma_wait3A_120 = arith.constant 0 : i32
      %dma_wait3A_121 = tpu.memref_slice %arg3[%add3A, %dma_wait3A_119, %dma_wait3A_120] : memref<32x40x128xi32, #tpu.memory_space<hbm>> -> memref<1x40x128xi32, #tpu.memory_space<hbm>>
      %dma_wait3A_122 = tpu.memref_squeeze %dma_wait3A_121 : memref<1x40x128xi32, #tpu.memory_space<hbm>> -> memref<40x128xi32, #tpu.memory_space<hbm>>
      tpu.wait_dma2 semaphore(%run_scoped3A : memref<!tpu.dma_semaphore, #tpu.memory_space<semaphore_mem>>) src(%dma_wait3A_122 : memref<40x128xi32, #tpu.memory_space<hbm>>) dst(%arg8 : memref<40x128xi32, #tpu.memory_space<vmem>>)
      tpu.yield
    }) : () -> ()
    %mul3A_1 = arith.constant 632 : i32
    %mul3A_2 = arith.muli %arg1, %mul3A_1 : i32
    "tpu.region"() ({
      %run_scoped3A = tpu.sem_alloc : memref<!tpu.dma_semaphore, #tpu.memory_space<semaphore_mem>>
      %dma_start3A_107 = arith.constant 0 : i32
      %dma_start3A_108 = tpu.memref_slice %arg11[%mul3A_2, %dma_start3A_107] : memref<10112x64xf32, #tpu.memory_space<vmem_shared>> -> memref<632x64xf32, #tpu.memory_space<vmem_shared>>
      tpu.enqueue_dma source(%arg5 : memref<632x64xf32, #tpu.memory_space<hbm>>) target(%dma_start3A_108 : memref<632x64xf32, #tpu.memory_space<vmem_shared>>) target_semaphore(%run_scoped3A : memref<!tpu.dma_semaphore, #tpu.memory_space<semaphore_mem>>)
      %dma_wait3A_109 = arith.constant 0 : i32
      %dma_wait3A_110 = tpu.memref_slice %arg11[%mul3A_2, %dma_wait3A_109] : memref<10112x64xf32, #tpu.memory_space<vmem_shared>> -> memref<632x64xf32, #tpu.memory_space<vmem_shared>>
      tpu.wait_dma2 semaphore(%run_scoped3A : memref<!tpu.dma_semaphore, #tpu.memory_space<semaphore_mem>>) src(%arg5 : memref<632x64xf32, #tpu.memory_space<hbm>>) dst(%dma_wait3A_110 : memref<632x64xf32, #tpu.memory_space<vmem_shared>>)
      tpu.yield
    }) : () -> ()
    %barrier3A = arith.constant 0 : index
    tpu.barrier barrier_id(%barrier3A)
    %dma_start3A = arith.constant 0 : i32
    %dma_start3A_3 = arith.constant 0 : i32
    %dma_start3A_4 = arith.constant 0 : i32
    %dma_start3A_5 = arith.constant 0 : i32
    %dma_start3A_6 = tpu.memref_slice %arg9[%dma_start3A_3, %dma_start3A_4, %dma_start3A_5] : memref<4x128x64xf32, #tpu.memory_space<vmem>> -> memref<1x128x64xf32, #tpu.memory_space<vmem>>
    %dma_start3A_7 = tpu.memref_squeeze %dma_start3A_6 : memref<1x128x64xf32, #tpu.memory_space<vmem>> -> memref<128x64xf32, #tpu.memory_space<vmem>>
    %dma_start3A_8 = arith.constant 0 : i32
    %dma_start3A_9 = tpu.memref_slice %arg7[%dma_start3A, %dma_start3A_8] : memref<40x128xi32, #tpu.memory_space<vmem>> -> memref<1x128xi32, #tpu.memory_space<vmem>>
    %dma_start3A_10 = tpu.memref_squeeze %dma_start3A_9 : memref<1x128xi32, #tpu.memory_space<vmem>> -> memref<128xi32, #tpu.memory_space<vmem>>
    %dma_start3A_11 = arith.constant 0 : i32
    %dma_start3A_12 = arith.constant 0 : i32
    %dma_start3A_13 = tpu.memref_slice %arg4[%dma_start3A_11, %dma_start3A_12] : memref<10000x64xf32, #tpu.memory_space<hbm>> -> memref<10000x64xf32, #tpu.memory_space<hbm>>
    tpu.enqueue_indirect_dma source(%dma_start3A_13 : memref<10000x64xf32, #tpu.memory_space<hbm>>) target(%dma_start3A_7 : memref<128x64xf32, #tpu.memory_space<vmem>>) offsets(%dma_start3A_10 : memref<128xi32, #tpu.memory_space<vmem>>) semaphore(%arg12 : memref<!tpu.dma_semaphore, #tpu.memory_space<semaphore_mem>>)
    %dma_start3A_14 = arith.constant 1 : i32
    %dma_start3A_15 = arith.constant 1 : i32
    %dma_start3A_16 = arith.constant 0 : i32
    %dma_start3A_17 = arith.constant 0 : i32
    %dma_start3A_18 = tpu.memref_slice %arg9[%dma_start3A_15, %dma_start3A_16, %dma_start3A_17] : memref<4x128x64xf32, #tpu.memory_space<vmem>> -> memref<1x128x64xf32, #tpu.memory_space<vmem>>
    %dma_start3A_19 = tpu.memref_squeeze %dma_start3A_18 : memref<1x128x64xf32, #tpu.memory_space<vmem>> -> memref<128x64xf32, #tpu.memory_space<vmem>>
    %dma_start3A_20 = arith.constant 0 : i32
    %dma_start3A_21 = tpu.memref_slice %arg7[%dma_start3A_14, %dma_start3A_20] : memref<40x128xi32, #tpu.memory_space<vmem>> -> memref<1x128xi32, #tpu.memory_space<vmem>>
    %dma_start3A_22 = tpu.memref_squeeze %dma_start3A_21 : memref<1x128xi32, #tpu.memory_space<vmem>> -> memref<128xi32, #tpu.memory_space<vmem>>
    %dma_start3A_23 = arith.constant 0 : i32
    %dma_start3A_24 = arith.constant 0 : i32
    %dma_start3A_25 = tpu.memref_slice %arg4[%dma_start3A_23, %dma_start3A_24] : memref<10000x64xf32, #tpu.memory_space<hbm>> -> memref<10000x64xf32, #tpu.memory_space<hbm>>
    tpu.enqueue_indirect_dma source(%dma_start3A_25 : memref<10000x64xf32, #tpu.memory_space<hbm>>) target(%dma_start3A_19 : memref<128x64xf32, #tpu.memory_space<vmem>>) offsets(%dma_start3A_22 : memref<128xi32, #tpu.memory_space<vmem>>) semaphore(%arg12 : memref<!tpu.dma_semaphore, #tpu.memory_space<semaphore_mem>>)
    %dma_start3A_26 = arith.constant 2 : i32
    %dma_start3A_27 = arith.constant 2 : i32
    %dma_start3A_28 = arith.constant 0 : i32
    %dma_start3A_29 = arith.constant 0 : i32
    %dma_start3A_30 = tpu.memref_slice %arg9[%dma_start3A_27, %dma_start3A_28, %dma_start3A_29] : memref<4x128x64xf32, #tpu.memory_space<vmem>> -> memref<1x128x64xf32, #tpu.memory_space<vmem>>
    %dma_start3A_31 = tpu.memref_squeeze %dma_start3A_30 : memref<1x128x64xf32, #tpu.memory_space<vmem>> -> memref<128x64xf32, #tpu.memory_space<vmem>>
    %dma_start3A_32 = arith.constant 0 : i32
    %dma_start3A_33 = tpu.memref_slice %arg7[%dma_start3A_26, %dma_start3A_32] : memref<40x128xi32, #tpu.memory_space<vmem>> -> memref<1x128xi32, #tpu.memory_space<vmem>>
    %dma_start3A_34 = tpu.memref_squeeze %dma_start3A_33 : memref<1x128xi32, #tpu.memory_space<vmem>> -> memref<128xi32, #tpu.memory_space<vmem>>
    %dma_start3A_35 = arith.constant 0 : i32
    %dma_start3A_36 = arith.constant 0 : i32
    %dma_start3A_37 = tpu.memref_slice %arg4[%dma_start3A_35, %dma_start3A_36] : memref<10000x64xf32, #tpu.memory_space<hbm>> -> memref<10000x64xf32, #tpu.memory_space<hbm>>
    tpu.enqueue_indirect_dma source(%dma_start3A_37 : memref<10000x64xf32, #tpu.memory_space<hbm>>) target(%dma_start3A_31 : memref<128x64xf32, #tpu.memory_space<vmem>>) offsets(%dma_start3A_34 : memref<128xi32, #tpu.memory_space<vmem>>) semaphore(%arg12 : memref<!tpu.dma_semaphore, #tpu.memory_space<semaphore_mem>>)
    %dma_start3A_38 = arith.constant 3 : i32
    %dma_start3A_39 = arith.constant 3 : i32
    %dma_start3A_40 = arith.constant 0 : i32
    %dma_start3A_41 = arith.constant 0 : i32
    %dma_start3A_42 = tpu.memref_slice %arg9[%dma_start3A_39, %dma_start3A_40, %dma_start3A_41] : memref<4x128x64xf32, #tpu.memory_space<vmem>> -> memref<1x128x64xf32, #tpu.memory_space<vmem>>
    %dma_start3A_43 = tpu.memref_squeeze %dma_start3A_42 : memref<1x128x64xf32, #tpu.memory_space<vmem>> -> memref<128x64xf32, #tpu.memory_space<vmem>>
    %dma_start3A_44 = arith.constant 0 : i32
    %dma_start3A_45 = tpu.memref_slice %arg7[%dma_start3A_38, %dma_start3A_44] : memref<40x128xi32, #tpu.memory_space<vmem>> -> memref<1x128xi32, #tpu.memory_space<vmem>>
    %dma_start3A_46 = tpu.memref_squeeze %dma_start3A_45 : memref<1x128xi32, #tpu.memory_space<vmem>> -> memref<128xi32, #tpu.memory_space<vmem>>
    %dma_start3A_47 = arith.constant 0 : i32
    %dma_start3A_48 = arith.constant 0 : i32
    %dma_start3A_49 = tpu.memref_slice %arg4[%dma_start3A_47, %dma_start3A_48] : memref<10000x64xf32, #tpu.memory_space<hbm>> -> memref<10000x64xf32, #tpu.memory_space<hbm>>
    tpu.enqueue_indirect_dma source(%dma_start3A_49 : memref<10000x64xf32, #tpu.memory_space<hbm>>) target(%dma_start3A_43 : memref<128x64xf32, #tpu.memory_space<vmem>>) offsets(%dma_start3A_46 : memref<128xi32, #tpu.memory_space<vmem>>) semaphore(%arg12 : memref<!tpu.dma_semaphore, #tpu.memory_space<semaphore_mem>>)
    %scan3A = arith.constant 0 : i32
    %scan3A_50 = arith.constant 0 : i32
    %scan3A_51 = arith.constant 5 : i32
    %scan3A_52 = arith.addi %scan3A_50, %scan3A_51 : i32
    %scan3A_53 = arith.constant 1 : i32
    scf.for %scan3A_107 = %scan3A_50 to %scan3A_52 step %scan3A_53  : i32 {
      %mul3A_108 = arith.constant 2 : i32
      %mul3A_109 = arith.muli %mul3A_108, %scan3A_107 : i32
      %mul3A_110 = arith.constant 2 : i32
      %mul3A_111 = arith.muli %mul3A_110, %scan3A_107 : i32
      %add3A_112 = arith.constant 1 : i32
      %add3A_113 = arith.addi %mul3A_111, %add3A_112 : i32
      %gt3A = arith.constant 0 : i32
      %gt3A_114 = arith.cmpi sgt, %scan3A_107, %gt3A : i32
      %convert_element_type3A = arith.extui %gt3A_114 : i1 to i32
      %cond3A = arith.constant 0 : i32
      %cond3A_115 = arith.cmpi ne, %convert_element_type3A, %cond3A : i32
      scf.if %cond3A_115 {
        %dma_wait3A_446 = arith.constant 0 : i32
        %dma_wait3A_447 = arith.constant 0 : i32
        %dma_wait3A_448 = arith.constant 0 : i32
        %dma_wait3A_449 = arith.constant 0 : i32
        %dma_wait3A_450 = tpu.memref_slice %arg10[%dma_wait3A_446, %dma_wait3A_448, %dma_wait3A_449] : memref<4x128x64xf32, #tpu.memory_space<vmem>> -> memref<1x128x64xf32, #tpu.memory_space<vmem>>
        %dma_wait3A_451 = tpu.memref_squeeze %dma_wait3A_450 : memref<1x128x64xf32, #tpu.memory_space<vmem>> -> memref<128x64xf32, #tpu.memory_space<vmem>>
        %dma_wait3A_452 = arith.constant 0 : i32
        %dma_wait3A_453 = tpu.memref_slice %arg8[%dma_wait3A_447, %dma_wait3A_452] : memref<40x128xi32, #tpu.memory_space<vmem>> -> memref<1x128xi32, #tpu.memory_space<vmem>>
        %dma_wait3A_454 = tpu.memref_squeeze %dma_wait3A_453 : memref<1x128xi32, #tpu.memory_space<vmem>> -> memref<128xi32, #tpu.memory_space<vmem>>
        %dma_wait3A_455 = arith.constant 0 : i32
        %dma_wait3A_456 = arith.constant 0 : i32
        %dma_wait3A_457 = tpu.memref_slice %arg11[%dma_wait3A_455, %dma_wait3A_456] : memref<10112x64xf32, #tpu.memory_space<vmem_shared>> -> memref<10112x64xf32, #tpu.memory_space<vmem_shared>>
        tpu.wait_indirect_dma semaphore(%arg15 : memref<!tpu.dma_semaphore, #tpu.memory_space<semaphore_mem>>) src(%dma_wait3A_451 : memref<128x64xf32, #tpu.memory_space<vmem>>) dst(%dma_wait3A_457 : memref<10112x64xf32, #tpu.memory_space<vmem_shared>>)
        %dma_wait3A_458 = arith.constant 1 : i32
        %dma_wait3A_459 = arith.constant 0 : i32
        %dma_wait3A_460 = arith.constant 0 : i32
        %dma_wait3A_461 = arith.constant 0 : i32
        %dma_wait3A_462 = tpu.memref_slice %arg10[%dma_wait3A_458, %dma_wait3A_460, %dma_wait3A_461] : memref<4x128x64xf32, #tpu.memory_space<vmem>> -> memref<1x128x64xf32, #tpu.memory_space<vmem>>
        %dma_wait3A_463 = tpu.memref_squeeze %dma_wait3A_462 : memref<1x128x64xf32, #tpu.memory_space<vmem>> -> memref<128x64xf32, #tpu.memory_space<vmem>>
        %dma_wait3A_464 = arith.constant 0 : i32
        %dma_wait3A_465 = tpu.memref_slice %arg8[%dma_wait3A_459, %dma_wait3A_464] : memref<40x128xi32, #tpu.memory_space<vmem>> -> memref<1x128xi32, #tpu.memory_space<vmem>>
        %dma_wait3A_466 = tpu.memref_squeeze %dma_wait3A_465 : memref<1x128xi32, #tpu.memory_space<vmem>> -> memref<128xi32, #tpu.memory_space<vmem>>
        %dma_wait3A_467 = arith.constant 0 : i32
        %dma_wait3A_468 = arith.constant 0 : i32
        %dma_wait3A_469 = tpu.memref_slice %arg11[%dma_wait3A_467, %dma_wait3A_468] : memref<10112x64xf32, #tpu.memory_space<vmem_shared>> -> memref<10112x64xf32, #tpu.memory_space<vmem_shared>>
        tpu.wait_indirect_dma semaphore(%arg15 : memref<!tpu.dma_semaphore, #tpu.memory_space<semaphore_mem>>) src(%dma_wait3A_463 : memref<128x64xf32, #tpu.memory_space<vmem>>) dst(%dma_wait3A_469 : memref<10112x64xf32, #tpu.memory_space<vmem_shared>>)
        %dma_wait3A_470 = arith.constant 2 : i32
        %dma_wait3A_471 = arith.constant 0 : i32
        %dma_wait3A_472 = arith.constant 0 : i32
        %dma_wait3A_473 = arith.constant 0 : i32
        %dma_wait3A_474 = tpu.memref_slice %arg10[%dma_wait3A_470, %dma_wait3A_472, %dma_wait3A_473] : memref<4x128x64xf32, #tpu.memory_space<vmem>> -> memref<1x128x64xf32, #tpu.memory_space<vmem>>
        %dma_wait3A_475 = tpu.memref_squeeze %dma_wait3A_474 : memref<1x128x64xf32, #tpu.memory_space<vmem>> -> memref<128x64xf32, #tpu.memory_space<vmem>>
        %dma_wait3A_476 = arith.constant 0 : i32
        %dma_wait3A_477 = tpu.memref_slice %arg8[%dma_wait3A_471, %dma_wait3A_476] : memref<40x128xi32, #tpu.memory_space<vmem>> -> memref<1x128xi32, #tpu.memory_space<vmem>>
        %dma_wait3A_478 = tpu.memref_squeeze %dma_wait3A_477 : memref<1x128xi32, #tpu.memory_space<vmem>> -> memref<128xi32, #tpu.memory_space<vmem>>
        %dma_wait3A_479 = arith.constant 0 : i32
        %dma_wait3A_480 = arith.constant 0 : i32
        %dma_wait3A_481 = tpu.memref_slice %arg11[%dma_wait3A_479, %dma_wait3A_480] : memref<10112x64xf32, #tpu.memory_space<vmem_shared>> -> memref<10112x64xf32, #tpu.memory_space<vmem_shared>>
        tpu.wait_indirect_dma semaphore(%arg15 : memref<!tpu.dma_semaphore, #tpu.memory_space<semaphore_mem>>) src(%dma_wait3A_475 : memref<128x64xf32, #tpu.memory_space<vmem>>) dst(%dma_wait3A_481 : memref<10112x64xf32, #tpu.memory_space<vmem_shared>>)
        %dma_wait3A_482 = arith.constant 3 : i32
        %dma_wait3A_483 = arith.constant 0 : i32
        %dma_wait3A_484 = arith.constant 0 : i32
        %dma_wait3A_485 = arith.constant 0 : i32
        %dma_wait3A_486 = tpu.memref_slice %arg10[%dma_wait3A_482, %dma_wait3A_484, %dma_wait3A_485] : memref<4x128x64xf32, #tpu.memory_space<vmem>> -> memref<1x128x64xf32, #tpu.memory_space<vmem>>
        %dma_wait3A_487 = tpu.memref_squeeze %dma_wait3A_486 : memref<1x128x64xf32, #tpu.memory_space<vmem>> -> memref<128x64xf32, #tpu.memory_space<vmem>>
        %dma_wait3A_488 = arith.constant 0 : i32
        %dma_wait3A_489 = tpu.memref_slice %arg8[%dma_wait3A_483, %dma_wait3A_488] : memref<40x128xi32, #tpu.memory_space<vmem>> -> memref<1x128xi32, #tpu.memory_space<vmem>>
        %dma_wait3A_490 = tpu.memref_squeeze %dma_wait3A_489 : memref<1x128xi32, #tpu.memory_space<vmem>> -> memref<128xi32, #tpu.memory_space<vmem>>
        %dma_wait3A_491 = arith.constant 0 : i32
        %dma_wait3A_492 = arith.constant 0 : i32
        %dma_wait3A_493 = tpu.memref_slice %arg11[%dma_wait3A_491, %dma_wait3A_492] : memref<10112x64xf32, #tpu.memory_space<vmem_shared>> -> memref<10112x64xf32, #tpu.memory_space<vmem_shared>>
        tpu.wait_indirect_dma semaphore(%arg15 : memref<!tpu.dma_semaphore, #tpu.memory_space<semaphore_mem>>) src(%dma_wait3A_487 : memref<128x64xf32, #tpu.memory_space<vmem>>) dst(%dma_wait3A_493 : memref<10112x64xf32, #tpu.memory_space<vmem_shared>>)
      } else {
      }
      %mul3A_116 = arith.constant 4 : i32
      %mul3A_117 = arith.muli %add3A_113, %mul3A_116 : i32
      %add3A_118 = arith.constant 0 : i32
      %add3A_119 = arith.addi %mul3A_117, %add3A_118 : i32
      %dma_start3A_120 = arith.constant 0 : i32
      %dma_start3A_121 = arith.constant 0 : i32
      %dma_start3A_122 = arith.constant 0 : i32
      %dma_start3A_123 = tpu.memref_slice %arg10[%dma_start3A_120, %dma_start3A_121, %dma_start3A_122] : memref<4x128x64xf32, #tpu.memory_space<vmem>> -> memref<1x128x64xf32, #tpu.memory_space<vmem>>
      %dma_start3A_124 = tpu.memref_squeeze %dma_start3A_123 : memref<1x128x64xf32, #tpu.memory_space<vmem>> -> memref<128x64xf32, #tpu.memory_space<vmem>>
      %dma_start3A_125 = arith.constant 0 : i32
      %dma_start3A_126 = tpu.memref_slice %arg7[%add3A_119, %dma_start3A_125] : memref<40x128xi32, #tpu.memory_space<vmem>> -> memref<1x128xi32, #tpu.memory_space<vmem>>
      %dma_start3A_127 = tpu.memref_squeeze %dma_start3A_126 : memref<1x128xi32, #tpu.memory_space<vmem>> -> memref<128xi32, #tpu.memory_space<vmem>>
      %dma_start3A_128 = arith.constant 0 : i32
      %dma_start3A_129 = arith.constant 0 : i32
      %dma_start3A_130 = tpu.memref_slice %arg4[%dma_start3A_128, %dma_start3A_129] : memref<10000x64xf32, #tpu.memory_space<hbm>> -> memref<10000x64xf32, #tpu.memory_space<hbm>>
      tpu.enqueue_indirect_dma source(%dma_start3A_130 : memref<10000x64xf32, #tpu.memory_space<hbm>>) target(%dma_start3A_124 : memref<128x64xf32, #tpu.memory_space<vmem>>) offsets(%dma_start3A_127 : memref<128xi32, #tpu.memory_space<vmem>>) semaphore(%arg13 : memref<!tpu.dma_semaphore, #tpu.memory_space<semaphore_mem>>)
      %mul3A_131 = arith.constant 4 : i32
      %mul3A_132 = arith.muli %add3A_113, %mul3A_131 : i32
      %add3A_133 = arith.constant 1 : i32
      %add3A_134 = arith.addi %mul3A_132, %add3A_133 : i32
      %dma_start3A_135 = arith.constant 1 : i32
      %dma_start3A_136 = arith.constant 0 : i32
      %dma_start3A_137 = arith.constant 0 : i32
      %dma_start3A_138 = tpu.memref_slice %arg10[%dma_start3A_135, %dma_start3A_136, %dma_start3A_137] : memref<4x128x64xf32, #tpu.memory_space<vmem>> -> memref<1x128x64xf32, #tpu.memory_space<vmem>>
      %dma_start3A_139 = tpu.memref_squeeze %dma_start3A_138 : memref<1x128x64xf32, #tpu.memory_space<vmem>> -> memref<128x64xf32, #tpu.memory_space<vmem>>
      %dma_start3A_140 = arith.constant 0 : i32
      %dma_start3A_141 = tpu.memref_slice %arg7[%add3A_134, %dma_start3A_140] : memref<40x128xi32, #tpu.memory_space<vmem>> -> memref<1x128xi32, #tpu.memory_space<vmem>>
      %dma_start3A_142 = tpu.memref_squeeze %dma_start3A_141 : memref<1x128xi32, #tpu.memory_space<vmem>> -> memref<128xi32, #tpu.memory_space<vmem>>
      %dma_start3A_143 = arith.constant 0 : i32
      %dma_start3A_144 = arith.constant 0 : i32
      %dma_start3A_145 = tpu.memref_slice %arg4[%dma_start3A_143, %dma_start3A_144] : memref<10000x64xf32, #tpu.memory_space<hbm>> -> memref<10000x64xf32, #tpu.memory_space<hbm>>
      tpu.enqueue_indirect_dma source(%dma_start3A_145 : memref<10000x64xf32, #tpu.memory_space<hbm>>) target(%dma_start3A_139 : memref<128x64xf32, #tpu.memory_space<vmem>>) offsets(%dma_start3A_142 : memref<128xi32, #tpu.memory_space<vmem>>) semaphore(%arg13 : memref<!tpu.dma_semaphore, #tpu.memory_space<semaphore_mem>>)
      %mul3A_146 = arith.constant 4 : i32
      %mul3A_147 = arith.muli %add3A_113, %mul3A_146 : i32
      %add3A_148 = arith.constant 2 : i32
      %add3A_149 = arith.addi %mul3A_147, %add3A_148 : i32
      %dma_start3A_150 = arith.constant 2 : i32
      %dma_start3A_151 = arith.constant 0 : i32
      %dma_start3A_152 = arith.constant 0 : i32
      %dma_start3A_153 = tpu.memref_slice %arg10[%dma_start3A_150, %dma_start3A_151, %dma_start3A_152] : memref<4x128x64xf32, #tpu.memory_space<vmem>> -> memref<1x128x64xf32, #tpu.memory_space<vmem>>
      %dma_start3A_154 = tpu.memref_squeeze %dma_start3A_153 : memref<1x128x64xf32, #tpu.memory_space<vmem>> -> memref<128x64xf32, #tpu.memory_space<vmem>>
      %dma_start3A_155 = arith.constant 0 : i32
      %dma_start3A_156 = tpu.memref_slice %arg7[%add3A_149, %dma_start3A_155] : memref<40x128xi32, #tpu.memory_space<vmem>> -> memref<1x128xi32, #tpu.memory_space<vmem>>
      %dma_start3A_157 = tpu.memref_squeeze %dma_start3A_156 : memref<1x128xi32, #tpu.memory_space<vmem>> -> memref<128xi32, #tpu.memory_space<vmem>>
      %dma_start3A_158 = arith.constant 0 : i32
      %dma_start3A_159 = arith.constant 0 : i32
      %dma_start3A_160 = tpu.memref_slice %arg4[%dma_start3A_158, %dma_start3A_159] : memref<10000x64xf32, #tpu.memory_space<hbm>> -> memref<10000x64xf32, #tpu.memory_space<hbm>>
      tpu.enqueue_indirect_dma source(%dma_start3A_160 : memref<10000x64xf32, #tpu.memory_space<hbm>>) target(%dma_start3A_154 : memref<128x64xf32, #tpu.memory_space<vmem>>) offsets(%dma_start3A_157 : memref<128xi32, #tpu.memory_space<vmem>>) semaphore(%arg13 : memref<!tpu.dma_semaphore, #tpu.memory_space<semaphore_mem>>)
      %mul3A_161 = arith.constant 4 : i32
      %mul3A_162 = arith.muli %add3A_113, %mul3A_161 : i32
      %add3A_163 = arith.constant 3 : i32
      %add3A_164 = arith.addi %mul3A_162, %add3A_163 : i32
      %dma_start3A_165 = arith.constant 3 : i32
      %dma_start3A_166 = arith.constant 0 : i32
      %dma_start3A_167 = arith.constant 0 : i32
      %dma_start3A_168 = tpu.memref_slice %arg10[%dma_start3A_165, %dma_start3A_166, %dma_start3A_167] : memref<4x128x64xf32, #tpu.memory_space<vmem>> -> memref<1x128x64xf32, #tpu.memory_space<vmem>>
      %dma_start3A_169 = tpu.memref_squeeze %dma_start3A_168 : memref<1x128x64xf32, #tpu.memory_space<vmem>> -> memref<128x64xf32, #tpu.memory_space<vmem>>
      %dma_start3A_170 = arith.constant 0 : i32
      %dma_start3A_171 = tpu.memref_slice %arg7[%add3A_164, %dma_start3A_170] : memref<40x128xi32, #tpu.memory_space<vmem>> -> memref<1x128xi32, #tpu.memory_space<vmem>>
      %dma_start3A_172 = tpu.memref_squeeze %dma_start3A_171 : memref<1x128xi32, #tpu.memory_space<vmem>> -> memref<128xi32, #tpu.memory_space<vmem>>
      %dma_start3A_173 = arith.constant 0 : i32
      %dma_start3A_174 = arith.constant 0 : i32
      %dma_start3A_175 = tpu.memref_slice %arg4[%dma_start3A_173, %dma_start3A_174] : memref<10000x64xf32, #tpu.memory_space<hbm>> -> memref<10000x64xf32, #tpu.memory_space<hbm>>
      tpu.enqueue_indirect_dma source(%dma_start3A_175 : memref<10000x64xf32, #tpu.memory_space<hbm>>) target(%dma_start3A_169 : memref<128x64xf32, #tpu.memory_space<vmem>>) offsets(%dma_start3A_172 : memref<128xi32, #tpu.memory_space<vmem>>) semaphore(%arg13 : memref<!tpu.dma_semaphore, #tpu.memory_space<semaphore_mem>>)
      %dma_wait3A_176 = arith.constant 0 : i32
      %dma_wait3A_177 = arith.constant 0 : i32
      %dma_wait3A_178 = arith.constant 0 : i32
      %dma_wait3A_179 = arith.constant 0 : i32
      %dma_wait3A_180 = tpu.memref_slice %arg9[%dma_wait3A_177, %dma_wait3A_178, %dma_wait3A_179] : memref<4x128x64xf32, #tpu.memory_space<vmem>> -> memref<1x128x64xf32, #tpu.memory_space<vmem>>
      %dma_wait3A_181 = tpu.memref_squeeze %dma_wait3A_180 : memref<1x128x64xf32, #tpu.memory_space<vmem>> -> memref<128x64xf32, #tpu.memory_space<vmem>>
      %dma_wait3A_182 = arith.constant 0 : i32
      %dma_wait3A_183 = tpu.memref_slice %arg7[%dma_wait3A_176, %dma_wait3A_182] : memref<40x128xi32, #tpu.memory_space<vmem>> -> memref<1x128xi32, #tpu.memory_space<vmem>>
      %dma_wait3A_184 = tpu.memref_squeeze %dma_wait3A_183 : memref<1x128xi32, #tpu.memory_space<vmem>> -> memref<128xi32, #tpu.memory_space<vmem>>
      %dma_wait3A_185 = arith.constant 0 : i32
      %dma_wait3A_186 = arith.constant 0 : i32
      %dma_wait3A_187 = tpu.memref_slice %arg4[%dma_wait3A_185, %dma_wait3A_186] : memref<10000x64xf32, #tpu.memory_space<hbm>> -> memref<10000x64xf32, #tpu.memory_space<hbm>>
      tpu.wait_indirect_dma semaphore(%arg12 : memref<!tpu.dma_semaphore, #tpu.memory_space<semaphore_mem>>) src(%dma_wait3A_187 : memref<10000x64xf32, #tpu.memory_space<hbm>>) dst(%dma_wait3A_181 : memref<128x64xf32, #tpu.memory_space<vmem>>)
      %dma_wait3A_188 = arith.constant 0 : i32
      %dma_wait3A_189 = arith.constant 1 : i32
      %dma_wait3A_190 = arith.constant 0 : i32
      %dma_wait3A_191 = arith.constant 0 : i32
      %dma_wait3A_192 = tpu.memref_slice %arg9[%dma_wait3A_189, %dma_wait3A_190, %dma_wait3A_191] : memref<4x128x64xf32, #tpu.memory_space<vmem>> -> memref<1x128x64xf32, #tpu.memory_space<vmem>>
      %dma_wait3A_193 = tpu.memref_squeeze %dma_wait3A_192 : memref<1x128x64xf32, #tpu.memory_space<vmem>> -> memref<128x64xf32, #tpu.memory_space<vmem>>
      %dma_wait3A_194 = arith.constant 0 : i32
      %dma_wait3A_195 = tpu.memref_slice %arg7[%dma_wait3A_188, %dma_wait3A_194] : memref<40x128xi32, #tpu.memory_space<vmem>> -> memref<1x128xi32, #tpu.memory_space<vmem>>
      %dma_wait3A_196 = tpu.memref_squeeze %dma_wait3A_195 : memref<1x128xi32, #tpu.memory_space<vmem>> -> memref<128xi32, #tpu.memory_space<vmem>>
      %dma_wait3A_197 = arith.constant 0 : i32
      %dma_wait3A_198 = arith.constant 0 : i32
      %dma_wait3A_199 = tpu.memref_slice %arg4[%dma_wait3A_197, %dma_wait3A_198] : memref<10000x64xf32, #tpu.memory_space<hbm>> -> memref<10000x64xf32, #tpu.memory_space<hbm>>
      tpu.wait_indirect_dma semaphore(%arg12 : memref<!tpu.dma_semaphore, #tpu.memory_space<semaphore_mem>>) src(%dma_wait3A_199 : memref<10000x64xf32, #tpu.memory_space<hbm>>) dst(%dma_wait3A_193 : memref<128x64xf32, #tpu.memory_space<vmem>>)
      %dma_wait3A_200 = arith.constant 0 : i32
      %dma_wait3A_201 = arith.constant 2 : i32
      %dma_wait3A_202 = arith.constant 0 : i32
      %dma_wait3A_203 = arith.constant 0 : i32
      %dma_wait3A_204 = tpu.memref_slice %arg9[%dma_wait3A_201, %dma_wait3A_202, %dma_wait3A_203] : memref<4x128x64xf32, #tpu.memory_space<vmem>> -> memref<1x128x64xf32, #tpu.memory_space<vmem>>
      %dma_wait3A_205 = tpu.memref_squeeze %dma_wait3A_204 : memref<1x128x64xf32, #tpu.memory_space<vmem>> -> memref<128x64xf32, #tpu.memory_space<vmem>>
      %dma_wait3A_206 = arith.constant 0 : i32
      %dma_wait3A_207 = tpu.memref_slice %arg7[%dma_wait3A_200, %dma_wait3A_206] : memref<40x128xi32, #tpu.memory_space<vmem>> -> memref<1x128xi32, #tpu.memory_space<vmem>>
      %dma_wait3A_208 = tpu.memref_squeeze %dma_wait3A_207 : memref<1x128xi32, #tpu.memory_space<vmem>> -> memref<128xi32, #tpu.memory_space<vmem>>
      %dma_wait3A_209 = arith.constant 0 : i32
      %dma_wait3A_210 = arith.constant 0 : i32
      %dma_wait3A_211 = tpu.memref_slice %arg4[%dma_wait3A_209, %dma_wait3A_210] : memref<10000x64xf32, #tpu.memory_space<hbm>> -> memref<10000x64xf32, #tpu.memory_space<hbm>>
      tpu.wait_indirect_dma semaphore(%arg12 : memref<!tpu.dma_semaphore, #tpu.memory_space<semaphore_mem>>) src(%dma_wait3A_211 : memref<10000x64xf32, #tpu.memory_space<hbm>>) dst(%dma_wait3A_205 : memref<128x64xf32, #tpu.memory_space<vmem>>)
      %dma_wait3A_212 = arith.constant 0 : i32
      %dma_wait3A_213 = arith.constant 3 : i32
      %dma_wait3A_214 = arith.constant 0 : i32
      %dma_wait3A_215 = arith.constant 0 : i32
      %dma_wait3A_216 = tpu.memref_slice %arg9[%dma_wait3A_213, %dma_wait3A_214, %dma_wait3A_215] : memref<4x128x64xf32, #tpu.memory_space<vmem>> -> memref<1x128x64xf32, #tpu.memory_space<vmem>>
      %dma_wait3A_217 = tpu.memref_squeeze %dma_wait3A_216 : memref<1x128x64xf32, #tpu.memory_space<vmem>> -> memref<128x64xf32, #tpu.memory_space<vmem>>
      %dma_wait3A_218 = arith.constant 0 : i32
      %dma_wait3A_219 = tpu.memref_slice %arg7[%dma_wait3A_212, %dma_wait3A_218] : memref<40x128xi32, #tpu.memory_space<vmem>> -> memref<1x128xi32, #tpu.memory_space<vmem>>
      %dma_wait3A_220 = tpu.memref_squeeze %dma_wait3A_219 : memref<1x128xi32, #tpu.memory_space<vmem>> -> memref<128xi32, #tpu.memory_space<vmem>>
      %dma_wait3A_221 = arith.constant 0 : i32
      %dma_wait3A_222 = arith.constant 0 : i32
      %dma_wait3A_223 = tpu.memref_slice %arg4[%dma_wait3A_221, %dma_wait3A_222] : memref<10000x64xf32, #tpu.memory_space<hbm>> -> memref<10000x64xf32, #tpu.memory_space<hbm>>
      tpu.wait_indirect_dma semaphore(%arg12 : memref<!tpu.dma_semaphore, #tpu.memory_space<semaphore_mem>>) src(%dma_wait3A_223 : memref<10000x64xf32, #tpu.memory_space<hbm>>) dst(%dma_wait3A_217 : memref<128x64xf32, #tpu.memory_space<vmem>>)
      %mul3A_224 = arith.constant 4 : i32
      %mul3A_225 = arith.muli %mul3A_109, %mul3A_224 : i32
      %add3A_226 = arith.constant 0 : i32
      %add3A_227 = arith.addi %mul3A_225, %add3A_226 : i32
      %dma_start3A_228 = arith.constant 0 : i32
      %dma_start3A_229 = arith.constant 0 : i32
      %dma_start3A_230 = arith.constant 0 : i32
      %dma_start3A_231 = tpu.memref_slice %arg9[%dma_start3A_228, %dma_start3A_229, %dma_start3A_230] : memref<4x128x64xf32, #tpu.memory_space<vmem>> -> memref<1x128x64xf32, #tpu.memory_space<vmem>>
      %dma_start3A_232 = tpu.memref_squeeze %dma_start3A_231 : memref<1x128x64xf32, #tpu.memory_space<vmem>> -> memref<128x64xf32, #tpu.memory_space<vmem>>
      %dma_start3A_233 = arith.constant 0 : i32
      %dma_start3A_234 = tpu.memref_slice %arg8[%add3A_227, %dma_start3A_233] : memref<40x128xi32, #tpu.memory_space<vmem>> -> memref<1x128xi32, #tpu.memory_space<vmem>>
      %dma_start3A_235 = tpu.memref_squeeze %dma_start3A_234 : memref<1x128xi32, #tpu.memory_space<vmem>> -> memref<128xi32, #tpu.memory_space<vmem>>
      %dma_start3A_236 = arith.constant 0 : i32
      %dma_start3A_237 = arith.constant 0 : i32
      %dma_start3A_238 = tpu.memref_slice %arg11[%dma_start3A_236, %dma_start3A_237] : memref<10112x64xf32, #tpu.memory_space<vmem_shared>> -> memref<10112x64xf32, #tpu.memory_space<vmem_shared>>
      tpu.enqueue_indirect_dma source(%dma_start3A_232 : memref<128x64xf32, #tpu.memory_space<vmem>>) target(%dma_start3A_238 : memref<10112x64xf32, #tpu.memory_space<vmem_shared>>) offsets(%dma_start3A_235 : memref<128xi32, #tpu.memory_space<vmem>>) semaphore(%arg14 : memref<!tpu.dma_semaphore, #tpu.memory_space<semaphore_mem>>) {add = true}
      %mul3A_239 = arith.constant 4 : i32
      %mul3A_240 = arith.muli %mul3A_109, %mul3A_239 : i32
      %add3A_241 = arith.constant 1 : i32
      %add3A_242 = arith.addi %mul3A_240, %add3A_241 : i32
      %dma_start3A_243 = arith.constant 1 : i32
      %dma_start3A_244 = arith.constant 0 : i32
      %dma_start3A_245 = arith.constant 0 : i32
      %dma_start3A_246 = tpu.memref_slice %arg9[%dma_start3A_243, %dma_start3A_244, %dma_start3A_245] : memref<4x128x64xf32, #tpu.memory_space<vmem>> -> memref<1x128x64xf32, #tpu.memory_space<vmem>>
      %dma_start3A_247 = tpu.memref_squeeze %dma_start3A_246 : memref<1x128x64xf32, #tpu.memory_space<vmem>> -> memref<128x64xf32, #tpu.memory_space<vmem>>
      %dma_start3A_248 = arith.constant 0 : i32
      %dma_start3A_249 = tpu.memref_slice %arg8[%add3A_242, %dma_start3A_248] : memref<40x128xi32, #tpu.memory_space<vmem>> -> memref<1x128xi32, #tpu.memory_space<vmem>>
      %dma_start3A_250 = tpu.memref_squeeze %dma_start3A_249 : memref<1x128xi32, #tpu.memory_space<vmem>> -> memref<128xi32, #tpu.memory_space<vmem>>
      %dma_start3A_251 = arith.constant 0 : i32
      %dma_start3A_252 = arith.constant 0 : i32
      %dma_start3A_253 = tpu.memref_slice %arg11[%dma_start3A_251, %dma_start3A_252] : memref<10112x64xf32, #tpu.memory_space<vmem_shared>> -> memref<10112x64xf32, #tpu.memory_space<vmem_shared>>
      tpu.enqueue_indirect_dma source(%dma_start3A_247 : memref<128x64xf32, #tpu.memory_space<vmem>>) target(%dma_start3A_253 : memref<10112x64xf32, #tpu.memory_space<vmem_shared>>) offsets(%dma_start3A_250 : memref<128xi32, #tpu.memory_space<vmem>>) semaphore(%arg14 : memref<!tpu.dma_semaphore, #tpu.memory_space<semaphore_mem>>) {add = true}
      %mul3A_254 = arith.constant 4 : i32
      %mul3A_255 = arith.muli %mul3A_109, %mul3A_254 : i32
      %add3A_256 = arith.constant 2 : i32
      %add3A_257 = arith.addi %mul3A_255, %add3A_256 : i32
      %dma_start3A_258 = arith.constant 2 : i32
      %dma_start3A_259 = arith.constant 0 : i32
      %dma_start3A_260 = arith.constant 0 : i32
      %dma_start3A_261 = tpu.memref_slice %arg9[%dma_start3A_258, %dma_start3A_259, %dma_start3A_260] : memref<4x128x64xf32, #tpu.memory_space<vmem>> -> memref<1x128x64xf32, #tpu.memory_space<vmem>>
      %dma_start3A_262 = tpu.memref_squeeze %dma_start3A_261 : memref<1x128x64xf32, #tpu.memory_space<vmem>> -> memref<128x64xf32, #tpu.memory_space<vmem>>
      %dma_start3A_263 = arith.constant 0 : i32
      %dma_start3A_264 = tpu.memref_slice %arg8[%add3A_257, %dma_start3A_263] : memref<40x128xi32, #tpu.memory_space<vmem>> -> memref<1x128xi32, #tpu.memory_space<vmem>>
      %dma_start3A_265 = tpu.memref_squeeze %dma_start3A_264 : memref<1x128xi32, #tpu.memory_space<vmem>> -> memref<128xi32, #tpu.memory_space<vmem>>
      %dma_start3A_266 = arith.constant 0 : i32
      %dma_start3A_267 = arith.constant 0 : i32
      %dma_start3A_268 = tpu.memref_slice %arg11[%dma_start3A_266, %dma_start3A_267] : memref<10112x64xf32, #tpu.memory_space<vmem_shared>> -> memref<10112x64xf32, #tpu.memory_space<vmem_shared>>
      tpu.enqueue_indirect_dma source(%dma_start3A_262 : memref<128x64xf32, #tpu.memory_space<vmem>>) target(%dma_start3A_268 : memref<10112x64xf32, #tpu.memory_space<vmem_shared>>) offsets(%dma_start3A_265 : memref<128xi32, #tpu.memory_space<vmem>>) semaphore(%arg14 : memref<!tpu.dma_semaphore, #tpu.memory_space<semaphore_mem>>) {add = true}
      %mul3A_269 = arith.constant 4 : i32
      %mul3A_270 = arith.muli %mul3A_109, %mul3A_269 : i32
      %add3A_271 = arith.constant 3 : i32
      %add3A_272 = arith.addi %mul3A_270, %add3A_271 : i32
      %dma_start3A_273 = arith.constant 3 : i32
      %dma_start3A_274 = arith.constant 0 : i32
      %dma_start3A_275 = arith.constant 0 : i32
      %dma_start3A_276 = tpu.memref_slice %arg9[%dma_start3A_273, %dma_start3A_274, %dma_start3A_275] : memref<4x128x64xf32, #tpu.memory_space<vmem>> -> memref<1x128x64xf32, #tpu.memory_space<vmem>>
      %dma_start3A_277 = tpu.memref_squeeze %dma_start3A_276 : memref<1x128x64xf32, #tpu.memory_space<vmem>> -> memref<128x64xf32, #tpu.memory_space<vmem>>
      %dma_start3A_278 = arith.constant 0 : i32
      %dma_start3A_279 = tpu.memref_slice %arg8[%add3A_272, %dma_start3A_278] : memref<40x128xi32, #tpu.memory_space<vmem>> -> memref<1x128xi32, #tpu.memory_space<vmem>>
      %dma_start3A_280 = tpu.memref_squeeze %dma_start3A_279 : memref<1x128xi32, #tpu.memory_space<vmem>> -> memref<128xi32, #tpu.memory_space<vmem>>
      %dma_start3A_281 = arith.constant 0 : i32
      %dma_start3A_282 = arith.constant 0 : i32
      %dma_start3A_283 = tpu.memref_slice %arg11[%dma_start3A_281, %dma_start3A_282] : memref<10112x64xf32, #tpu.memory_space<vmem_shared>> -> memref<10112x64xf32, #tpu.memory_space<vmem_shared>>
      tpu.enqueue_indirect_dma source(%dma_start3A_277 : memref<128x64xf32, #tpu.memory_space<vmem>>) target(%dma_start3A_283 : memref<10112x64xf32, #tpu.memory_space<vmem_shared>>) offsets(%dma_start3A_280 : memref<128xi32, #tpu.memory_space<vmem>>) semaphore(%arg14 : memref<!tpu.dma_semaphore, #tpu.memory_space<semaphore_mem>>) {add = true}
      %dma_wait3A_284 = arith.constant 0 : i32
      %dma_wait3A_285 = arith.constant 0 : i32
      %dma_wait3A_286 = arith.constant 0 : i32
      %dma_wait3A_287 = arith.constant 0 : i32
      %dma_wait3A_288 = tpu.memref_slice %arg9[%dma_wait3A_284, %dma_wait3A_286, %dma_wait3A_287] : memref<4x128x64xf32, #tpu.memory_space<vmem>> -> memref<1x128x64xf32, #tpu.memory_space<vmem>>
      %dma_wait3A_289 = tpu.memref_squeeze %dma_wait3A_288 : memref<1x128x64xf32, #tpu.memory_space<vmem>> -> memref<128x64xf32, #tpu.memory_space<vmem>>
      %dma_wait3A_290 = arith.constant 0 : i32
      %dma_wait3A_291 = tpu.memref_slice %arg8[%dma_wait3A_285, %dma_wait3A_290] : memref<40x128xi32, #tpu.memory_space<vmem>> -> memref<1x128xi32, #tpu.memory_space<vmem>>
      %dma_wait3A_292 = tpu.memref_squeeze %dma_wait3A_291 : memref<1x128xi32, #tpu.memory_space<vmem>> -> memref<128xi32, #tpu.memory_space<vmem>>
      %dma_wait3A_293 = arith.constant 0 : i32
      %dma_wait3A_294 = arith.constant 0 : i32
      %dma_wait3A_295 = tpu.memref_slice %arg11[%dma_wait3A_293, %dma_wait3A_294] : memref<10112x64xf32, #tpu.memory_space<vmem_shared>> -> memref<10112x64xf32, #tpu.memory_space<vmem_shared>>
      tpu.wait_indirect_dma semaphore(%arg14 : memref<!tpu.dma_semaphore, #tpu.memory_space<semaphore_mem>>) src(%dma_wait3A_289 : memref<128x64xf32, #tpu.memory_space<vmem>>) dst(%dma_wait3A_295 : memref<10112x64xf32, #tpu.memory_space<vmem_shared>>)
      %dma_wait3A_296 = arith.constant 1 : i32
      %dma_wait3A_297 = arith.constant 0 : i32
      %dma_wait3A_298 = arith.constant 0 : i32
      %dma_wait3A_299 = arith.constant 0 : i32
      %dma_wait3A_300 = tpu.memref_slice %arg9[%dma_wait3A_296, %dma_wait3A_298, %dma_wait3A_299] : memref<4x128x64xf32, #tpu.memory_space<vmem>> -> memref<1x128x64xf32, #tpu.memory_space<vmem>>
      %dma_wait3A_301 = tpu.memref_squeeze %dma_wait3A_300 : memref<1x128x64xf32, #tpu.memory_space<vmem>> -> memref<128x64xf32, #tpu.memory_space<vmem>>
      %dma_wait3A_302 = arith.constant 0 : i32
      %dma_wait3A_303 = tpu.memref_slice %arg8[%dma_wait3A_297, %dma_wait3A_302] : memref<40x128xi32, #tpu.memory_space<vmem>> -> memref<1x128xi32, #tpu.memory_space<vmem>>
      %dma_wait3A_304 = tpu.memref_squeeze %dma_wait3A_303 : memref<1x128xi32, #tpu.memory_space<vmem>> -> memref<128xi32, #tpu.memory_space<vmem>>
      %dma_wait3A_305 = arith.constant 0 : i32
      %dma_wait3A_306 = arith.constant 0 : i32
      %dma_wait3A_307 = tpu.memref_slice %arg11[%dma_wait3A_305, %dma_wait3A_306] : memref<10112x64xf32, #tpu.memory_space<vmem_shared>> -> memref<10112x64xf32, #tpu.memory_space<vmem_shared>>
      tpu.wait_indirect_dma semaphore(%arg14 : memref<!tpu.dma_semaphore, #tpu.memory_space<semaphore_mem>>) src(%dma_wait3A_301 : memref<128x64xf32, #tpu.memory_space<vmem>>) dst(%dma_wait3A_307 : memref<10112x64xf32, #tpu.memory_space<vmem_shared>>)
      %dma_wait3A_308 = arith.constant 2 : i32
      %dma_wait3A_309 = arith.constant 0 : i32
      %dma_wait3A_310 = arith.constant 0 : i32
      %dma_wait3A_311 = arith.constant 0 : i32
      %dma_wait3A_312 = tpu.memref_slice %arg9[%dma_wait3A_308, %dma_wait3A_310, %dma_wait3A_311] : memref<4x128x64xf32, #tpu.memory_space<vmem>> -> memref<1x128x64xf32, #tpu.memory_space<vmem>>
      %dma_wait3A_313 = tpu.memref_squeeze %dma_wait3A_312 : memref<1x128x64xf32, #tpu.memory_space<vmem>> -> memref<128x64xf32, #tpu.memory_space<vmem>>
      %dma_wait3A_314 = arith.constant 0 : i32
      %dma_wait3A_315 = tpu.memref_slice %arg8[%dma_wait3A_309, %dma_wait3A_314] : memref<40x128xi32, #tpu.memory_space<vmem>> -> memref<1x128xi32, #tpu.memory_space<vmem>>
      %dma_wait3A_316 = tpu.memref_squeeze %dma_wait3A_315 : memref<1x128xi32, #tpu.memory_space<vmem>> -> memref<128xi32, #tpu.memory_space<vmem>>
      %dma_wait3A_317 = arith.constant 0 : i32
      %dma_wait3A_318 = arith.constant 0 : i32
      %dma_wait3A_319 = tpu.memref_slice %arg11[%dma_wait3A_317, %dma_wait3A_318] : memref<10112x64xf32, #tpu.memory_space<vmem_shared>> -> memref<10112x64xf32, #tpu.memory_space<vmem_shared>>
      tpu.wait_indirect_dma semaphore(%arg14 : memref<!tpu.dma_semaphore, #tpu.memory_space<semaphore_mem>>) src(%dma_wait3A_313 : memref<128x64xf32, #tpu.memory_space<vmem>>) dst(%dma_wait3A_319 : memref<10112x64xf32, #tpu.memory_space<vmem_shared>>)
      %dma_wait3A_320 = arith.constant 3 : i32
      %dma_wait3A_321 = arith.constant 0 : i32
      %dma_wait3A_322 = arith.constant 0 : i32
      %dma_wait3A_323 = arith.constant 0 : i32
      %dma_wait3A_324 = tpu.memref_slice %arg9[%dma_wait3A_320, %dma_wait3A_322, %dma_wait3A_323] : memref<4x128x64xf32, #tpu.memory_space<vmem>> -> memref<1x128x64xf32, #tpu.memory_space<vmem>>
      %dma_wait3A_325 = tpu.memref_squeeze %dma_wait3A_324 : memref<1x128x64xf32, #tpu.memory_space<vmem>> -> memref<128x64xf32, #tpu.memory_space<vmem>>
      %dma_wait3A_326 = arith.constant 0 : i32
      %dma_wait3A_327 = tpu.memref_slice %arg8[%dma_wait3A_321, %dma_wait3A_326] : memref<40x128xi32, #tpu.memory_space<vmem>> -> memref<1x128xi32, #tpu.memory_space<vmem>>
      %dma_wait3A_328 = tpu.memref_squeeze %dma_wait3A_327 : memref<1x128xi32, #tpu.memory_space<vmem>> -> memref<128xi32, #tpu.memory_space<vmem>>
      %dma_wait3A_329 = arith.constant 0 : i32
      %dma_wait3A_330 = arith.constant 0 : i32
      %dma_wait3A_331 = tpu.memref_slice %arg11[%dma_wait3A_329, %dma_wait3A_330] : memref<10112x64xf32, #tpu.memory_space<vmem_shared>> -> memref<10112x64xf32, #tpu.memory_space<vmem_shared>>
      tpu.wait_indirect_dma semaphore(%arg14 : memref<!tpu.dma_semaphore, #tpu.memory_space<semaphore_mem>>) src(%dma_wait3A_325 : memref<128x64xf32, #tpu.memory_space<vmem>>) dst(%dma_wait3A_331 : memref<10112x64xf32, #tpu.memory_space<vmem_shared>>)
      %add3A_332 = arith.constant 2 : i32
      %add3A_333 = arith.addi %mul3A_109, %add3A_332 : i32
      %lt3A = arith.constant 10 : i32
      %lt3A_334 = arith.cmpi slt, %add3A_333, %lt3A : i32
      %convert_element_type3A_335 = arith.extui %lt3A_334 : i1 to i32
      %cond3A_336 = arith.constant 0 : i32
      %cond3A_337 = arith.cmpi ne, %convert_element_type3A_335, %cond3A_336 : i32
      scf.if %cond3A_337 {
        %add3A_446 = arith.constant 2 : i32
        %add3A_447 = arith.addi %mul3A_109, %add3A_446 : i32
        %mul3A_448 = arith.constant 4 : i32
        %mul3A_449 = arith.muli %add3A_447, %mul3A_448 : i32
        %add3A_450 = arith.constant 0 : i32
        %add3A_451 = arith.addi %mul3A_449, %add3A_450 : i32
        %dma_start3A_452 = arith.constant 0 : i32
        %dma_start3A_453 = arith.constant 0 : i32
        %dma_start3A_454 = arith.constant 0 : i32
        %dma_start3A_455 = tpu.memref_slice %arg9[%dma_start3A_452, %dma_start3A_453, %dma_start3A_454] : memref<4x128x64xf32, #tpu.memory_space<vmem>> -> memref<1x128x64xf32, #tpu.memory_space<vmem>>
        %dma_start3A_456 = tpu.memref_squeeze %dma_start3A_455 : memref<1x128x64xf32, #tpu.memory_space<vmem>> -> memref<128x64xf32, #tpu.memory_space<vmem>>
        %dma_start3A_457 = arith.constant 0 : i32
        %dma_start3A_458 = tpu.memref_slice %arg7[%add3A_451, %dma_start3A_457] : memref<40x128xi32, #tpu.memory_space<vmem>> -> memref<1x128xi32, #tpu.memory_space<vmem>>
        %dma_start3A_459 = tpu.memref_squeeze %dma_start3A_458 : memref<1x128xi32, #tpu.memory_space<vmem>> -> memref<128xi32, #tpu.memory_space<vmem>>
        %dma_start3A_460 = arith.constant 0 : i32
        %dma_start3A_461 = arith.constant 0 : i32
        %dma_start3A_462 = tpu.memref_slice %arg4[%dma_start3A_460, %dma_start3A_461] : memref<10000x64xf32, #tpu.memory_space<hbm>> -> memref<10000x64xf32, #tpu.memory_space<hbm>>
        tpu.enqueue_indirect_dma source(%dma_start3A_462 : memref<10000x64xf32, #tpu.memory_space<hbm>>) target(%dma_start3A_456 : memref<128x64xf32, #tpu.memory_space<vmem>>) offsets(%dma_start3A_459 : memref<128xi32, #tpu.memory_space<vmem>>) semaphore(%arg12 : memref<!tpu.dma_semaphore, #tpu.memory_space<semaphore_mem>>)
        %mul3A_463 = arith.constant 4 : i32
        %mul3A_464 = arith.muli %add3A_447, %mul3A_463 : i32
        %add3A_465 = arith.constant 1 : i32
        %add3A_466 = arith.addi %mul3A_464, %add3A_465 : i32
        %dma_start3A_467 = arith.constant 1 : i32
        %dma_start3A_468 = arith.constant 0 : i32
        %dma_start3A_469 = arith.constant 0 : i32
        %dma_start3A_470 = tpu.memref_slice %arg9[%dma_start3A_467, %dma_start3A_468, %dma_start3A_469] : memref<4x128x64xf32, #tpu.memory_space<vmem>> -> memref<1x128x64xf32, #tpu.memory_space<vmem>>
        %dma_start3A_471 = tpu.memref_squeeze %dma_start3A_470 : memref<1x128x64xf32, #tpu.memory_space<vmem>> -> memref<128x64xf32, #tpu.memory_space<vmem>>
        %dma_start3A_472 = arith.constant 0 : i32
        %dma_start3A_473 = tpu.memref_slice %arg7[%add3A_466, %dma_start3A_472] : memref<40x128xi32, #tpu.memory_space<vmem>> -> memref<1x128xi32, #tpu.memory_space<vmem>>
        %dma_start3A_474 = tpu.memref_squeeze %dma_start3A_473 : memref<1x128xi32, #tpu.memory_space<vmem>> -> memref<128xi32, #tpu.memory_space<vmem>>
        %dma_start3A_475 = arith.constant 0 : i32
        %dma_start3A_476 = arith.constant 0 : i32
        %dma_start3A_477 = tpu.memref_slice %arg4[%dma_start3A_475, %dma_start3A_476] : memref<10000x64xf32, #tpu.memory_space<hbm>> -> memref<10000x64xf32, #tpu.memory_space<hbm>>
        tpu.enqueue_indirect_dma source(%dma_start3A_477 : memref<10000x64xf32, #tpu.memory_space<hbm>>) target(%dma_start3A_471 : memref<128x64xf32, #tpu.memory_space<vmem>>) offsets(%dma_start3A_474 : memref<128xi32, #tpu.memory_space<vmem>>) semaphore(%arg12 : memref<!tpu.dma_semaphore, #tpu.memory_space<semaphore_mem>>)
        %mul3A_478 = arith.constant 4 : i32
        %mul3A_479 = arith.muli %add3A_447, %mul3A_478 : i32
        %add3A_480 = arith.constant 2 : i32
        %add3A_481 = arith.addi %mul3A_479, %add3A_480 : i32
        %dma_start3A_482 = arith.constant 2 : i32
        %dma_start3A_483 = arith.constant 0 : i32
        %dma_start3A_484 = arith.constant 0 : i32
        %dma_start3A_485 = tpu.memref_slice %arg9[%dma_start3A_482, %dma_start3A_483, %dma_start3A_484] : memref<4x128x64xf32, #tpu.memory_space<vmem>> -> memref<1x128x64xf32, #tpu.memory_space<vmem>>
        %dma_start3A_486 = tpu.memref_squeeze %dma_start3A_485 : memref<1x128x64xf32, #tpu.memory_space<vmem>> -> memref<128x64xf32, #tpu.memory_space<vmem>>
        %dma_start3A_487 = arith.constant 0 : i32
        %dma_start3A_488 = tpu.memref_slice %arg7[%add3A_481, %dma_start3A_487] : memref<40x128xi32, #tpu.memory_space<vmem>> -> memref<1x128xi32, #tpu.memory_space<vmem>>
        %dma_start3A_489 = tpu.memref_squeeze %dma_start3A_488 : memref<1x128xi32, #tpu.memory_space<vmem>> -> memref<128xi32, #tpu.memory_space<vmem>>
        %dma_start3A_490 = arith.constant 0 : i32
        %dma_start3A_491 = arith.constant 0 : i32
        %dma_start3A_492 = tpu.memref_slice %arg4[%dma_start3A_490, %dma_start3A_491] : memref<10000x64xf32, #tpu.memory_space<hbm>> -> memref<10000x64xf32, #tpu.memory_space<hbm>>
        tpu.enqueue_indirect_dma source(%dma_start3A_492 : memref<10000x64xf32, #tpu.memory_space<hbm>>) target(%dma_start3A_486 : memref<128x64xf32, #tpu.memory_space<vmem>>) offsets(%dma_start3A_489 : memref<128xi32, #tpu.memory_space<vmem>>) semaphore(%arg12 : memref<!tpu.dma_semaphore, #tpu.memory_space<semaphore_mem>>)
        %mul3A_493 = arith.constant 4 : i32
        %mul3A_494 = arith.muli %add3A_447, %mul3A_493 : i32
        %add3A_495 = arith.constant 3 : i32
        %add3A_496 = arith.addi %mul3A_494, %add3A_495 : i32
        %dma_start3A_497 = arith.constant 3 : i32
        %dma_start3A_498 = arith.constant 0 : i32
        %dma_start3A_499 = arith.constant 0 : i32
        %dma_start3A_500 = tpu.memref_slice %arg9[%dma_start3A_497, %dma_start3A_498, %dma_start3A_499] : memref<4x128x64xf32, #tpu.memory_space<vmem>> -> memref<1x128x64xf32, #tpu.memory_space<vmem>>
        %dma_start3A_501 = tpu.memref_squeeze %dma_start3A_500 : memref<1x128x64xf32, #tpu.memory_space<vmem>> -> memref<128x64xf32, #tpu.memory_space<vmem>>
        %dma_start3A_502 = arith.constant 0 : i32
        %dma_start3A_503 = tpu.memref_slice %arg7[%add3A_496, %dma_start3A_502] : memref<40x128xi32, #tpu.memory_space<vmem>> -> memref<1x128xi32, #tpu.memory_space<vmem>>
        %dma_start3A_504 = tpu.memref_squeeze %dma_start3A_503 : memref<1x128xi32, #tpu.memory_space<vmem>> -> memref<128xi32, #tpu.memory_space<vmem>>
        %dma_start3A_505 = arith.constant 0 : i32
        %dma_start3A_506 = arith.constant 0 : i32
        %dma_start3A_507 = tpu.memref_slice %arg4[%dma_start3A_505, %dma_start3A_506] : memref<10000x64xf32, #tpu.memory_space<hbm>> -> memref<10000x64xf32, #tpu.memory_space<hbm>>
        tpu.enqueue_indirect_dma source(%dma_start3A_507 : memref<10000x64xf32, #tpu.memory_space<hbm>>) target(%dma_start3A_501 : memref<128x64xf32, #tpu.memory_space<vmem>>) offsets(%dma_start3A_504 : memref<128xi32, #tpu.memory_space<vmem>>) semaphore(%arg12 : memref<!tpu.dma_semaphore, #tpu.memory_space<semaphore_mem>>)
      } else {
      }
      %dma_wait3A_338 = arith.constant 0 : i32
      %dma_wait3A_339 = arith.constant 0 : i32
      %dma_wait3A_340 = arith.constant 0 : i32
      %dma_wait3A_341 = arith.constant 0 : i32
      %dma_wait3A_342 = tpu.memref_slice %arg10[%dma_wait3A_339, %dma_wait3A_340, %dma_wait3A_341] : memref<4x128x64xf32, #tpu.memory_space<vmem>> -> memref<1x128x64xf32, #tpu.memory_space<vmem>>
      %dma_wait3A_343 = tpu.memref_squeeze %dma_wait3A_342 : memref<1x128x64xf32, #tpu.memory_space<vmem>> -> memref<128x64xf32, #tpu.memory_space<vmem>>
      %dma_wait3A_344 = arith.constant 0 : i32
      %dma_wait3A_345 = tpu.memref_slice %arg7[%dma_wait3A_338, %dma_wait3A_344] : memref<40x128xi32, #tpu.memory_space<vmem>> -> memref<1x128xi32, #tpu.memory_space<vmem>>
      %dma_wait3A_346 = tpu.memref_squeeze %dma_wait3A_345 : memref<1x128xi32, #tpu.memory_space<vmem>> -> memref<128xi32, #tpu.memory_space<vmem>>
      %dma_wait3A_347 = arith.constant 0 : i32
      %dma_wait3A_348 = arith.constant 0 : i32
      %dma_wait3A_349 = tpu.memref_slice %arg4[%dma_wait3A_347, %dma_wait3A_348] : memref<10000x64xf32, #tpu.memory_space<hbm>> -> memref<10000x64xf32, #tpu.memory_space<hbm>>
      tpu.wait_indirect_dma semaphore(%arg13 : memref<!tpu.dma_semaphore, #tpu.memory_space<semaphore_mem>>) src(%dma_wait3A_349 : memref<10000x64xf32, #tpu.memory_space<hbm>>) dst(%dma_wait3A_343 : memref<128x64xf32, #tpu.memory_space<vmem>>)
      %dma_wait3A_350 = arith.constant 0 : i32
      %dma_wait3A_351 = arith.constant 1 : i32
      %dma_wait3A_352 = arith.constant 0 : i32
      %dma_wait3A_353 = arith.constant 0 : i32
      %dma_wait3A_354 = tpu.memref_slice %arg10[%dma_wait3A_351, %dma_wait3A_352, %dma_wait3A_353] : memref<4x128x64xf32, #tpu.memory_space<vmem>> -> memref<1x128x64xf32, #tpu.memory_space<vmem>>
      %dma_wait3A_355 = tpu.memref_squeeze %dma_wait3A_354 : memref<1x128x64xf32, #tpu.memory_space<vmem>> -> memref<128x64xf32, #tpu.memory_space<vmem>>
      %dma_wait3A_356 = arith.constant 0 : i32
      %dma_wait3A_357 = tpu.memref_slice %arg7[%dma_wait3A_350, %dma_wait3A_356] : memref<40x128xi32, #tpu.memory_space<vmem>> -> memref<1x128xi32, #tpu.memory_space<vmem>>
      %dma_wait3A_358 = tpu.memref_squeeze %dma_wait3A_357 : memref<1x128xi32, #tpu.memory_space<vmem>> -> memref<128xi32, #tpu.memory_space<vmem>>
      %dma_wait3A_359 = arith.constant 0 : i32
      %dma_wait3A_360 = arith.constant 0 : i32
      %dma_wait3A_361 = tpu.memref_slice %arg4[%dma_wait3A_359, %dma_wait3A_360] : memref<10000x64xf32, #tpu.memory_space<hbm>> -> memref<10000x64xf32, #tpu.memory_space<hbm>>
      tpu.wait_indirect_dma semaphore(%arg13 : memref<!tpu.dma_semaphore, #tpu.memory_space<semaphore_mem>>) src(%dma_wait3A_361 : memref<10000x64xf32, #tpu.memory_space<hbm>>) dst(%dma_wait3A_355 : memref<128x64xf32, #tpu.memory_space<vmem>>)
      %dma_wait3A_362 = arith.constant 0 : i32
      %dma_wait3A_363 = arith.constant 2 : i32
      %dma_wait3A_364 = arith.constant 0 : i32
      %dma_wait3A_365 = arith.constant 0 : i32
      %dma_wait3A_366 = tpu.memref_slice %arg10[%dma_wait3A_363, %dma_wait3A_364, %dma_wait3A_365] : memref<4x128x64xf32, #tpu.memory_space<vmem>> -> memref<1x128x64xf32, #tpu.memory_space<vmem>>
      %dma_wait3A_367 = tpu.memref_squeeze %dma_wait3A_366 : memref<1x128x64xf32, #tpu.memory_space<vmem>> -> memref<128x64xf32, #tpu.memory_space<vmem>>
      %dma_wait3A_368 = arith.constant 0 : i32
      %dma_wait3A_369 = tpu.memref_slice %arg7[%dma_wait3A_362, %dma_wait3A_368] : memref<40x128xi32, #tpu.memory_space<vmem>> -> memref<1x128xi32, #tpu.memory_space<vmem>>
      %dma_wait3A_370 = tpu.memref_squeeze %dma_wait3A_369 : memref<1x128xi32, #tpu.memory_space<vmem>> -> memref<128xi32, #tpu.memory_space<vmem>>
      %dma_wait3A_371 = arith.constant 0 : i32
      %dma_wait3A_372 = arith.constant 0 : i32
      %dma_wait3A_373 = tpu.memref_slice %arg4[%dma_wait3A_371, %dma_wait3A_372] : memref<10000x64xf32, #tpu.memory_space<hbm>> -> memref<10000x64xf32, #tpu.memory_space<hbm>>
      tpu.wait_indirect_dma semaphore(%arg13 : memref<!tpu.dma_semaphore, #tpu.memory_space<semaphore_mem>>) src(%dma_wait3A_373 : memref<10000x64xf32, #tpu.memory_space<hbm>>) dst(%dma_wait3A_367 : memref<128x64xf32, #tpu.memory_space<vmem>>)
      %dma_wait3A_374 = arith.constant 0 : i32
      %dma_wait3A_375 = arith.constant 3 : i32
      %dma_wait3A_376 = arith.constant 0 : i32
      %dma_wait3A_377 = arith.constant 0 : i32
      %dma_wait3A_378 = tpu.memref_slice %arg10[%dma_wait3A_375, %dma_wait3A_376, %dma_wait3A_377] : memref<4x128x64xf32, #tpu.memory_space<vmem>> -> memref<1x128x64xf32, #tpu.memory_space<vmem>>
      %dma_wait3A_379 = tpu.memref_squeeze %dma_wait3A_378 : memref<1x128x64xf32, #tpu.memory_space<vmem>> -> memref<128x64xf32, #tpu.memory_space<vmem>>
      %dma_wait3A_380 = arith.constant 0 : i32
      %dma_wait3A_381 = tpu.memref_slice %arg7[%dma_wait3A_374, %dma_wait3A_380] : memref<40x128xi32, #tpu.memory_space<vmem>> -> memref<1x128xi32, #tpu.memory_space<vmem>>
      %dma_wait3A_382 = tpu.memref_squeeze %dma_wait3A_381 : memref<1x128xi32, #tpu.memory_space<vmem>> -> memref<128xi32, #tpu.memory_space<vmem>>
      %dma_wait3A_383 = arith.constant 0 : i32
      %dma_wait3A_384 = arith.constant 0 : i32
      %dma_wait3A_385 = tpu.memref_slice %arg4[%dma_wait3A_383, %dma_wait3A_384] : memref<10000x64xf32, #tpu.memory_space<hbm>> -> memref<10000x64xf32, #tpu.memory_space<hbm>>
      tpu.wait_indirect_dma semaphore(%arg13 : memref<!tpu.dma_semaphore, #tpu.memory_space<semaphore_mem>>) src(%dma_wait3A_385 : memref<10000x64xf32, #tpu.memory_space<hbm>>) dst(%dma_wait3A_379 : memref<128x64xf32, #tpu.memory_space<vmem>>)
      %mul3A_386 = arith.constant 4 : i32
      %mul3A_387 = arith.muli %add3A_113, %mul3A_386 : i32
      %add3A_388 = arith.constant 0 : i32
      %add3A_389 = arith.addi %mul3A_387, %add3A_388 : i32
      %dma_start3A_390 = arith.constant 0 : i32
      %dma_start3A_391 = arith.constant 0 : i32
      %dma_start3A_392 = arith.constant 0 : i32
      %dma_start3A_393 = tpu.memref_slice %arg10[%dma_start3A_390, %dma_start3A_391, %dma_start3A_392] : memref<4x128x64xf32, #tpu.memory_space<vmem>> -> memref<1x128x64xf32, #tpu.memory_space<vmem>>
      %dma_start3A_394 = tpu.memref_squeeze %dma_start3A_393 : memref<1x128x64xf32, #tpu.memory_space<vmem>> -> memref<128x64xf32, #tpu.memory_space<vmem>>
      %dma_start3A_395 = arith.constant 0 : i32
      %dma_start3A_396 = tpu.memref_slice %arg8[%add3A_389, %dma_start3A_395] : memref<40x128xi32, #tpu.memory_space<vmem>> -> memref<1x128xi32, #tpu.memory_space<vmem>>
      %dma_start3A_397 = tpu.memref_squeeze %dma_start3A_396 : memref<1x128xi32, #tpu.memory_space<vmem>> -> memref<128xi32, #tpu.memory_space<vmem>>
      %dma_start3A_398 = arith.constant 0 : i32
      %dma_start3A_399 = arith.constant 0 : i32
      %dma_start3A_400 = tpu.memref_slice %arg11[%dma_start3A_398, %dma_start3A_399] : memref<10112x64xf32, #tpu.memory_space<vmem_shared>> -> memref<10112x64xf32, #tpu.memory_space<vmem_shared>>
      tpu.enqueue_indirect_dma source(%dma_start3A_394 : memref<128x64xf32, #tpu.memory_space<vmem>>) target(%dma_start3A_400 : memref<10112x64xf32, #tpu.memory_space<vmem_shared>>) offsets(%dma_start3A_397 : memref<128xi32, #tpu.memory_space<vmem>>) semaphore(%arg15 : memref<!tpu.dma_semaphore, #tpu.memory_space<semaphore_mem>>) {add = true}
      %mul3A_401 = arith.constant 4 : i32
      %mul3A_402 = arith.muli %add3A_113, %mul3A_401 : i32
      %add3A_403 = arith.constant 1 : i32
      %add3A_404 = arith.addi %mul3A_402, %add3A_403 : i32
      %dma_start3A_405 = arith.constant 1 : i32
      %dma_start3A_406 = arith.constant 0 : i32
      %dma_start3A_407 = arith.constant 0 : i32
      %dma_start3A_408 = tpu.memref_slice %arg10[%dma_start3A_405, %dma_start3A_406, %dma_start3A_407] : memref<4x128x64xf32, #tpu.memory_space<vmem>> -> memref<1x128x64xf32, #tpu.memory_space<vmem>>
      %dma_start3A_409 = tpu.memref_squeeze %dma_start3A_408 : memref<1x128x64xf32, #tpu.memory_space<vmem>> -> memref<128x64xf32, #tpu.memory_space<vmem>>
      %dma_start3A_410 = arith.constant 0 : i32
      %dma_start3A_411 = tpu.memref_slice %arg8[%add3A_404, %dma_start3A_410] : memref<40x128xi32, #tpu.memory_space<vmem>> -> memref<1x128xi32, #tpu.memory_space<vmem>>
      %dma_start3A_412 = tpu.memref_squeeze %dma_start3A_411 : memref<1x128xi32, #tpu.memory_space<vmem>> -> memref<128xi32, #tpu.memory_space<vmem>>
      %dma_start3A_413 = arith.constant 0 : i32
      %dma_start3A_414 = arith.constant 0 : i32
      %dma_start3A_415 = tpu.memref_slice %arg11[%dma_start3A_413, %dma_start3A_414] : memref<10112x64xf32, #tpu.memory_space<vmem_shared>> -> memref<10112x64xf32, #tpu.memory_space<vmem_shared>>
      tpu.enqueue_indirect_dma source(%dma_start3A_409 : memref<128x64xf32, #tpu.memory_space<vmem>>) target(%dma_start3A_415 : memref<10112x64xf32, #tpu.memory_space<vmem_shared>>) offsets(%dma_start3A_412 : memref<128xi32, #tpu.memory_space<vmem>>) semaphore(%arg15 : memref<!tpu.dma_semaphore, #tpu.memory_space<semaphore_mem>>) {add = true}
      %mul3A_416 = arith.constant 4 : i32
      %mul3A_417 = arith.muli %add3A_113, %mul3A_416 : i32
      %add3A_418 = arith.constant 2 : i32
      %add3A_419 = arith.addi %mul3A_417, %add3A_418 : i32
      %dma_start3A_420 = arith.constant 2 : i32
      %dma_start3A_421 = arith.constant 0 : i32
      %dma_start3A_422 = arith.constant 0 : i32
      %dma_start3A_423 = tpu.memref_slice %arg10[%dma_start3A_420, %dma_start3A_421, %dma_start3A_422] : memref<4x128x64xf32, #tpu.memory_space<vmem>> -> memref<1x128x64xf32, #tpu.memory_space<vmem>>
      %dma_start3A_424 = tpu.memref_squeeze %dma_start3A_423 : memref<1x128x64xf32, #tpu.memory_space<vmem>> -> memref<128x64xf32, #tpu.memory_space<vmem>>
      %dma_start3A_425 = arith.constant 0 : i32
      %dma_start3A_426 = tpu.memref_slice %arg8[%add3A_419, %dma_start3A_425] : memref<40x128xi32, #tpu.memory_space<vmem>> -> memref<1x128xi32, #tpu.memory_space<vmem>>
      %dma_start3A_427 = tpu.memref_squeeze %dma_start3A_426 : memref<1x128xi32, #tpu.memory_space<vmem>> -> memref<128xi32, #tpu.memory_space<vmem>>
      %dma_start3A_428 = arith.constant 0 : i32
      %dma_start3A_429 = arith.constant 0 : i32
      %dma_start3A_430 = tpu.memref_slice %arg11[%dma_start3A_428, %dma_start3A_429] : memref<10112x64xf32, #tpu.memory_space<vmem_shared>> -> memref<10112x64xf32, #tpu.memory_space<vmem_shared>>
      tpu.enqueue_indirect_dma source(%dma_start3A_424 : memref<128x64xf32, #tpu.memory_space<vmem>>) target(%dma_start3A_430 : memref<10112x64xf32, #tpu.memory_space<vmem_shared>>) offsets(%dma_start3A_427 : memref<128xi32, #tpu.memory_space<vmem>>) semaphore(%arg15 : memref<!tpu.dma_semaphore, #tpu.memory_space<semaphore_mem>>) {add = true}
      %mul3A_431 = arith.constant 4 : i32
      %mul3A_432 = arith.muli %add3A_113, %mul3A_431 : i32
      %add3A_433 = arith.constant 3 : i32
      %add3A_434 = arith.addi %mul3A_432, %add3A_433 : i32
      %dma_start3A_435 = arith.constant 3 : i32
      %dma_start3A_436 = arith.constant 0 : i32
      %dma_start3A_437 = arith.constant 0 : i32
      %dma_start3A_438 = tpu.memref_slice %arg10[%dma_start3A_435, %dma_start3A_436, %dma_start3A_437] : memref<4x128x64xf32, #tpu.memory_space<vmem>> -> memref<1x128x64xf32, #tpu.memory_space<vmem>>
      %dma_start3A_439 = tpu.memref_squeeze %dma_start3A_438 : memref<1x128x64xf32, #tpu.memory_space<vmem>> -> memref<128x64xf32, #tpu.memory_space<vmem>>
      %dma_start3A_440 = arith.constant 0 : i32
      %dma_start3A_441 = tpu.memref_slice %arg8[%add3A_434, %dma_start3A_440] : memref<40x128xi32, #tpu.memory_space<vmem>> -> memref<1x128xi32, #tpu.memory_space<vmem>>
      %dma_start3A_442 = tpu.memref_squeeze %dma_start3A_441 : memref<1x128xi32, #tpu.memory_space<vmem>> -> memref<128xi32, #tpu.memory_space<vmem>>
      %dma_start3A_443 = arith.constant 0 : i32
      %dma_start3A_444 = arith.constant 0 : i32
      %dma_start3A_445 = tpu.memref_slice %arg11[%dma_start3A_443, %dma_start3A_444] : memref<10112x64xf32, #tpu.memory_space<vmem_shared>> -> memref<10112x64xf32, #tpu.memory_space<vmem_shared>>
      tpu.enqueue_indirect_dma source(%dma_start3A_439 : memref<128x64xf32, #tpu.memory_space<vmem>>) target(%dma_start3A_445 : memref<10112x64xf32, #tpu.memory_space<vmem_shared>>) offsets(%dma_start3A_442 : memref<128xi32, #tpu.memory_space<vmem>>) semaphore(%arg15 : memref<!tpu.dma_semaphore, #tpu.memory_space<semaphore_mem>>) {add = true}
    }
    %scan3A_54 = arith.constant 5 : i32
    %dma_wait3A = arith.constant 0 : i32
    %dma_wait3A_55 = arith.constant 0 : i32
    %dma_wait3A_56 = arith.constant 0 : i32
    %dma_wait3A_57 = arith.constant 0 : i32
    %dma_wait3A_58 = tpu.memref_slice %arg10[%dma_wait3A, %dma_wait3A_56, %dma_wait3A_57] : memref<4x128x64xf32, #tpu.memory_space<vmem>> -> memref<1x128x64xf32, #tpu.memory_space<vmem>>
    %dma_wait3A_59 = tpu.memref_squeeze %dma_wait3A_58 : memref<1x128x64xf32, #tpu.memory_space<vmem>> -> memref<128x64xf32, #tpu.memory_space<vmem>>
    %dma_wait3A_60 = arith.constant 0 : i32
    %dma_wait3A_61 = tpu.memref_slice %arg8[%dma_wait3A_55, %dma_wait3A_60] : memref<40x128xi32, #tpu.memory_space<vmem>> -> memref<1x128xi32, #tpu.memory_space<vmem>>
    %dma_wait3A_62 = tpu.memref_squeeze %dma_wait3A_61 : memref<1x128xi32, #tpu.memory_space<vmem>> -> memref<128xi32, #tpu.memory_space<vmem>>
    %dma_wait3A_63 = arith.constant 0 : i32
    %dma_wait3A_64 = arith.constant 0 : i32
    %dma_wait3A_65 = tpu.memref_slice %arg11[%dma_wait3A_63, %dma_wait3A_64] : memref<10112x64xf32, #tpu.memory_space<vmem_shared>> -> memref<10112x64xf32, #tpu.memory_space<vmem_shared>>
    tpu.wait_indirect_dma semaphore(%arg15 : memref<!tpu.dma_semaphore, #tpu.memory_space<semaphore_mem>>) src(%dma_wait3A_59 : memref<128x64xf32, #tpu.memory_space<vmem>>) dst(%dma_wait3A_65 : memref<10112x64xf32, #tpu.memory_space<vmem_shared>>)
    %dma_wait3A_66 = arith.constant 1 : i32
    %dma_wait3A_67 = arith.constant 0 : i32
    %dma_wait3A_68 = arith.constant 0 : i32
    %dma_wait3A_69 = arith.constant 0 : i32
    %dma_wait3A_70 = tpu.memref_slice %arg10[%dma_wait3A_66, %dma_wait3A_68, %dma_wait3A_69] : memref<4x128x64xf32, #tpu.memory_space<vmem>> -> memref<1x128x64xf32, #tpu.memory_space<vmem>>
    %dma_wait3A_71 = tpu.memref_squeeze %dma_wait3A_70 : memref<1x128x64xf32, #tpu.memory_space<vmem>> -> memref<128x64xf32, #tpu.memory_space<vmem>>
    %dma_wait3A_72 = arith.constant 0 : i32
    %dma_wait3A_73 = tpu.memref_slice %arg8[%dma_wait3A_67, %dma_wait3A_72] : memref<40x128xi32, #tpu.memory_space<vmem>> -> memref<1x128xi32, #tpu.memory_space<vmem>>
    %dma_wait3A_74 = tpu.memref_squeeze %dma_wait3A_73 : memref<1x128xi32, #tpu.memory_space<vmem>> -> memref<128xi32, #tpu.memory_space<vmem>>
    %dma_wait3A_75 = arith.constant 0 : i32
    %dma_wait3A_76 = arith.constant 0 : i32
    %dma_wait3A_77 = tpu.memref_slice %arg11[%dma_wait3A_75, %dma_wait3A_76] : memref<10112x64xf32, #tpu.memory_space<vmem_shared>> -> memref<10112x64xf32, #tpu.memory_space<vmem_shared>>
    tpu.wait_indirect_dma semaphore(%arg15 : memref<!tpu.dma_semaphore, #tpu.memory_space<semaphore_mem>>) src(%dma_wait3A_71 : memref<128x64xf32, #tpu.memory_space<vmem>>) dst(%dma_wait3A_77 : memref<10112x64xf32, #tpu.memory_space<vmem_shared>>)
    %dma_wait3A_78 = arith.constant 2 : i32
    %dma_wait3A_79 = arith.constant 0 : i32
    %dma_wait3A_80 = arith.constant 0 : i32
    %dma_wait3A_81 = arith.constant 0 : i32
    %dma_wait3A_82 = tpu.memref_slice %arg10[%dma_wait3A_78, %dma_wait3A_80, %dma_wait3A_81] : memref<4x128x64xf32, #tpu.memory_space<vmem>> -> memref<1x128x64xf32, #tpu.memory_space<vmem>>
    %dma_wait3A_83 = tpu.memref_squeeze %dma_wait3A_82 : memref<1x128x64xf32, #tpu.memory_space<vmem>> -> memref<128x64xf32, #tpu.memory_space<vmem>>
    %dma_wait3A_84 = arith.constant 0 : i32
    %dma_wait3A_85 = tpu.memref_slice %arg8[%dma_wait3A_79, %dma_wait3A_84] : memref<40x128xi32, #tpu.memory_space<vmem>> -> memref<1x128xi32, #tpu.memory_space<vmem>>
    %dma_wait3A_86 = tpu.memref_squeeze %dma_wait3A_85 : memref<1x128xi32, #tpu.memory_space<vmem>> -> memref<128xi32, #tpu.memory_space<vmem>>
    %dma_wait3A_87 = arith.constant 0 : i32
    %dma_wait3A_88 = arith.constant 0 : i32
    %dma_wait3A_89 = tpu.memref_slice %arg11[%dma_wait3A_87, %dma_wait3A_88] : memref<10112x64xf32, #tpu.memory_space<vmem_shared>> -> memref<10112x64xf32, #tpu.memory_space<vmem_shared>>
    tpu.wait_indirect_dma semaphore(%arg15 : memref<!tpu.dma_semaphore, #tpu.memory_space<semaphore_mem>>) src(%dma_wait3A_83 : memref<128x64xf32, #tpu.memory_space<vmem>>) dst(%dma_wait3A_89 : memref<10112x64xf32, #tpu.memory_space<vmem_shared>>)
    %dma_wait3A_90 = arith.constant 3 : i32
    %dma_wait3A_91 = arith.constant 0 : i32
    %dma_wait3A_92 = arith.constant 0 : i32
    %dma_wait3A_93 = arith.constant 0 : i32
    %dma_wait3A_94 = tpu.memref_slice %arg10[%dma_wait3A_90, %dma_wait3A_92, %dma_wait3A_93] : memref<4x128x64xf32, #tpu.memory_space<vmem>> -> memref<1x128x64xf32, #tpu.memory_space<vmem>>
    %dma_wait3A_95 = tpu.memref_squeeze %dma_wait3A_94 : memref<1x128x64xf32, #tpu.memory_space<vmem>> -> memref<128x64xf32, #tpu.memory_space<vmem>>
    %dma_wait3A_96 = arith.constant 0 : i32
    %dma_wait3A_97 = tpu.memref_slice %arg8[%dma_wait3A_91, %dma_wait3A_96] : memref<40x128xi32, #tpu.memory_space<vmem>> -> memref<1x128xi32, #tpu.memory_space<vmem>>
    %dma_wait3A_98 = tpu.memref_squeeze %dma_wait3A_97 : memref<1x128xi32, #tpu.memory_space<vmem>> -> memref<128xi32, #tpu.memory_space<vmem>>
    %dma_wait3A_99 = arith.constant 0 : i32
    %dma_wait3A_100 = arith.constant 0 : i32
    %dma_wait3A_101 = tpu.memref_slice %arg11[%dma_wait3A_99, %dma_wait3A_100] : memref<10112x64xf32, #tpu.memory_space<vmem_shared>> -> memref<10112x64xf32, #tpu.memory_space<vmem_shared>>
    tpu.wait_indirect_dma semaphore(%arg15 : memref<!tpu.dma_semaphore, #tpu.memory_space<semaphore_mem>>) src(%dma_wait3A_95 : memref<128x64xf32, #tpu.memory_space<vmem>>) dst(%dma_wait3A_101 : memref<10112x64xf32, #tpu.memory_space<vmem_shared>>)
    %barrier3A_102 = arith.constant 0 : index
    tpu.barrier barrier_id(%barrier3A_102)
    %mul3A_103 = arith.constant 632 : i32
    %mul3A_104 = arith.muli %arg1, %mul3A_103 : i32
    %mul3A_105 = arith.constant 632 : i32
    %mul3A_106 = arith.muli %arg1, %mul3A_105 : i32
    "tpu.region"() ({
      %run_scoped3A = tpu.sem_alloc : memref<!tpu.dma_semaphore, #tpu.memory_space<semaphore_mem>>
      %dma_start3A_107 = arith.constant 0 : i32
      %dma_start3A_108 = tpu.memref_slice %arg6[%arg0, %mul3A_106, %dma_start3A_107] : memref<2x10112x64xf32, #tpu.memory_space<hbm>> -> memref<1x632x64xf32, #tpu.memory_space<hbm>>
      %dma_start3A_109 = tpu.memref_squeeze %dma_start3A_108 : memref<1x632x64xf32, #tpu.memory_space<hbm>> -> memref<632x64xf32, #tpu.memory_space<hbm>>
      %dma_start3A_110 = arith.constant 0 : i32
      %dma_start3A_111 = tpu.memref_slice %arg11[%mul3A_104, %dma_start3A_110] : memref<10112x64xf32, #tpu.memory_space<vmem_shared>> -> memref<632x64xf32, #tpu.memory_space<vmem_shared>>
      tpu.enqueue_dma source(%dma_start3A_111 : memref<632x64xf32, #tpu.memory_space<vmem_shared>>) target(%dma_start3A_109 : memref<632x64xf32, #tpu.memory_space<hbm>>) target_semaphore(%run_scoped3A : memref<!tpu.dma_semaphore, #tpu.memory_space<semaphore_mem>>)
      %dma_wait3A_112 = arith.constant 0 : i32
      %dma_wait3A_113 = tpu.memref_slice %arg6[%arg0, %mul3A_106, %dma_wait3A_112] : memref<2x10112x64xf32, #tpu.memory_space<hbm>> -> memref<1x632x64xf32, #tpu.memory_space<hbm>>
      %dma_wait3A_114 = tpu.memref_squeeze %dma_wait3A_113 : memref<1x632x64xf32, #tpu.memory_space<hbm>> -> memref<632x64xf32, #tpu.memory_space<hbm>>
      %dma_wait3A_115 = arith.constant 0 : i32
      %dma_wait3A_116 = tpu.memref_slice %arg11[%mul3A_104, %dma_wait3A_115] : memref<10112x64xf32, #tpu.memory_space<vmem_shared>> -> memref<632x64xf32, #tpu.memory_space<vmem_shared>>
      tpu.wait_dma2 semaphore(%run_scoped3A : memref<!tpu.dma_semaphore, #tpu.memory_space<semaphore_mem>>) src(%dma_wait3A_116 : memref<632x64xf32, #tpu.memory_space<vmem_shared>>) dst(%dma_wait3A_114 : memref<632x64xf32, #tpu.memory_space<hbm>>)
      tpu.yield
    }) : () -> ()
    return
  }
}

module attributes {stable_mosaic.version = 14 : i64} {
  func.func @_xw_body(%arg0: i32, %arg1: memref<1000x256xf32, #tpu.memory_space<vmem>>, %arg2: memref<256x64xf32, #tpu.memory_space<vmem>>, %arg3: memref<2x1000x8xf32, #tpu.memory_space<vmem>>, %arg4: memref<1000x64xf32, #tpu.memory_space<vmem>>) attributes {dimension_semantics = [#tpu.dimension_semantics<arbitrary>], iteration_bounds = array<i64: 10>, scalar_prefetch = 0 : i64, scratch_operands = 0 : i64, tpu.core_type = #tpu.core_type<tc>, window_params = [{transform_indices = @transform_0, window_bounds = array<i64: 1000, 256>}, {pipeline_mode = #tpu.pipeline_mode<synchronous>, transform_indices = @transform_1, window_bounds = array<i64: 256, 64>}, {transform_indices = @transform_2, window_bounds = array<i64: 2, 1000, 8>}, {transform_indices = @transform_3, window_bounds = array<i64: 1000, 64>}]} {
    %get3A = arith.constant 0 : index
    %get3A_0 = arith.constant 0 : index
    %get3A_1 = vector.load %arg1[%get3A, %get3A_0] : memref<1000x256xf32, #tpu.memory_space<vmem>>, vector<1000x256xf32>
    %get3A_2 = arith.constant 0 : index
    %get3A_3 = arith.constant 0 : index
    %get3A_4 = vector.load %arg2[%get3A_2, %get3A_3] : memref<256x64xf32, #tpu.memory_space<vmem>>, vector<256x64xf32>
    %dot_general3A = arith.constant dense<0.000000e+00> : vector<1000x64xf32>
    %dot_general3A_5 = tpu.matmul %get3A_1, %get3A_4, %dot_general3A {dimension_numbers = #tpu.dot_dimension_numbers<[1], [0], [0], [1], [0, 0, 1, 1], [], []>, transpose_lhs_hint = false} : vector<1000x256xf32>, vector<256x64xf32>, vector<1000x64xf32> -> vector<1000x64xf32>
    %get3A_6 = arith.constant 0 : index
    %get3A_7 = arith.constant 0 : index
    %get3A_8 = arith.constant 0 : index
    %get3A_9 = vector.load %arg3[%get3A_6, %get3A_7, %get3A_8] : memref<2x1000x8xf32, #tpu.memory_space<vmem>>, vector<1x1000x1xf32>
    %get3A_10 = vector.shape_cast %get3A_9 : vector<1x1000x1xf32> to vector<1000x1xf32>
    %get3A_11 = arith.constant 1 : index
    %get3A_12 = arith.constant 0 : index
    %get3A_13 = arith.constant 0 : index
    %get3A_14 = vector.load %arg3[%get3A_11, %get3A_12, %get3A_13] : memref<2x1000x8xf32, #tpu.memory_space<vmem>>, vector<1x1000x1xf32>
    %get3A_15 = vector.shape_cast %get3A_14 : vector<1x1000x1xf32> to vector<1000x1xf32>
    %add3A = arith.addf %get3A_10, %get3A_15 : vector<1000x1xf32>
    %add3A_16 = arith.constant 1.000000e+00 : f32
    %add3A_17 = vector.broadcast %add3A_16 : f32 to vector<1000x1xf32>
    %add3A_18 = arith.addf %add3A, %add3A_17 : vector<1000x1xf32>
    %rsqrt3A = math.rsqrt %add3A_18 : vector<1000x1xf32>
    %mul3A = vector.broadcast %rsqrt3A : vector<1000x1xf32> to vector<1000x64xf32>
    %mul3A_19 = arith.mulf %dot_general3A_5, %mul3A : vector<1000x64xf32>
    %swap3A = arith.constant 0 : index
    %swap3A_20 = arith.constant 0 : index
    %swap3A_21 = vector.load %arg4[%swap3A, %swap3A_20] : memref<1000x64xf32, #tpu.memory_space<vmem>>, vector<1000x64xf32>
    tpu.vector_store %arg4[%swap3A, %swap3A_20], %mul3A_19 {strides = array<i32>} : memref<1000x64xf32, #tpu.memory_space<vmem>>, vector<1000x64xf32>,
    return
  }
  func.func @transform_0(%arg0: i32) -> (i32, i32) {
    %c0_i32 = arith.constant 0 : i32
    %c0_i32_0 = arith.constant 0 : i32
    return %arg0, %c0_i32 : i32, i32
  }
  func.func @transform_1(%arg0: i32) -> (i32, i32) {
    %c0_i32 = arith.constant 0 : i32
    %c0_i32_0 = arith.constant 0 : i32
    %c0_i32_1 = arith.constant 0 : i32
    return %c0_i32, %c0_i32_0 : i32, i32
  }
  func.func @transform_2(%arg0: i32) -> (i32, i32, i32) {
    %c0_i32 = arith.constant 0 : i32
    %c0_i32_0 = arith.constant 0 : i32
    %c0_i32_1 = arith.constant 0 : i32
    return %c0_i32, %arg0, %c0_i32_0 : i32, i32, i32
  }
  func.func @transform_3(%arg0: i32) -> (i32, i32) {
    %c0_i32 = arith.constant 0 : i32
    %c0_i32_0 = arith.constant 0 : i32
    return %arg0, %c0_i32 : i32, i32
  }
}

module attributes {stable_mosaic.version = 14 : i64} {
  func.func @_gate_body(%arg0: memref<2x10112x64xf32, #tpu.memory_space<vmem>>, %arg1: memref<10000x64xf32, #tpu.memory_space<vmem>>, %arg2: memref<2x10112x8xf32, #tpu.memory_space<vmem>>, %arg3: memref<32x32xf32, #tpu.memory_space<vmem>>, %arg4: memref<32x32xf32, #tpu.memory_space<vmem>>, %arg5: memref<1x32xf32, #tpu.memory_space<vmem>>, %arg6: memref<1x32xf32, #tpu.memory_space<vmem>>, %arg7: memref<1x32xf32, #tpu.memory_space<vmem>>, %arg8: memref<1x32xf32, #tpu.memory_space<vmem>>, %arg9: memref<32x1xf32, #tpu.memory_space<vmem>>, %arg10: memref<1x1xf32, #tpu.memory_space<vmem>>, %arg11: memref<10000x1xf32, #tpu.memory_space<vmem>>) attributes {dimension_semantics = [], scalar_prefetch = 0 : i64, scratch_operands = 0 : i64, tpu.core_type = #tpu.core_type<tc>} {
    %get3A = arith.constant 0 : index
    %get3A_0 = arith.constant 0 : index
    %get3A_1 = arith.constant 0 : index
    %get3A_2 = vector.load %arg0[%get3A, %get3A_0, %get3A_1] : memref<2x10112x64xf32, #tpu.memory_space<vmem>>, vector<1x10000x64xf32>
    %get3A_3 = vector.shape_cast %get3A_2 : vector<1x10000x64xf32> to vector<10000x64xf32>
    %get3A_4 = arith.constant 1 : index
    %get3A_5 = arith.constant 0 : index
    %get3A_6 = arith.constant 0 : index
    %get3A_7 = vector.load %arg0[%get3A_4, %get3A_5, %get3A_6] : memref<2x10112x64xf32, #tpu.memory_space<vmem>>, vector<1x10000x64xf32>
    %get3A_8 = vector.shape_cast %get3A_7 : vector<1x10000x64xf32> to vector<10000x64xf32>
    %add3A = arith.addf %get3A_3, %get3A_8 : vector<10000x64xf32>
    %get3A_9 = arith.constant 0 : index
    %get3A_10 = arith.constant 0 : index
    %get3A_11 = arith.constant 0 : index
    %get3A_12 = vector.load %arg2[%get3A_9, %get3A_10, %get3A_11] : memref<2x10112x8xf32, #tpu.memory_space<vmem>>, vector<1x10000x1xf32>
    %get3A_13 = vector.shape_cast %get3A_12 : vector<1x10000x1xf32> to vector<10000x1xf32>
    %get3A_14 = arith.constant 1 : index
    %get3A_15 = arith.constant 0 : index
    %get3A_16 = arith.constant 0 : index
    %get3A_17 = vector.load %arg2[%get3A_14, %get3A_15, %get3A_16] : memref<2x10112x8xf32, #tpu.memory_space<vmem>>, vector<1x10000x1xf32>
    %get3A_18 = vector.shape_cast %get3A_17 : vector<1x10000x1xf32> to vector<10000x1xf32>
    %add3A_19 = arith.addf %get3A_13, %get3A_18 : vector<10000x1xf32>
    %add3A_20 = arith.constant 1.000000e+00 : f32
    %add3A_21 = vector.broadcast %add3A_20 : f32 to vector<10000x1xf32>
    %add3A_22 = arith.addf %add3A_19, %add3A_21 : vector<10000x1xf32>
    %rsqrt3A = math.rsqrt %add3A_22 : vector<10000x1xf32>
    %get3A_23 = arith.constant 0 : index
    %get3A_24 = arith.constant 0 : index
    %get3A_25 = vector.load %arg1[%get3A_23, %get3A_24] : memref<10000x64xf32, #tpu.memory_space<vmem>>, vector<10000x64xf32>
    %add3A_26 = arith.addf %add3A, %get3A_25 : vector<10000x64xf32>
    %mul3A = vector.broadcast %rsqrt3A : vector<10000x1xf32> to vector<10000x64xf32>
    %mul3A_27 = arith.mulf %mul3A, %add3A_26 : vector<10000x64xf32>
    %slice3A = vector.extract_strided_slice %mul3A_27 {offsets = [0, 0], sizes = [10000, 32], strides = [1, 1]} : vector<10000x64xf32> to vector<10000x32xf32>
    %slice3A_28 = vector.extract_strided_slice %mul3A_27 {offsets = [0, 32], sizes = [10000, 32], strides = [1, 1]} : vector<10000x64xf32> to vector<10000x32xf32>
    %get3A_29 = arith.constant 0 : index
    %get3A_30 = arith.constant 0 : index
    %get3A_31 = vector.load %arg3[%get3A_29, %get3A_30] : memref<32x32xf32, #tpu.memory_space<vmem>>, vector<32x32xf32>
    %get3A_32 = arith.constant 0 : index
    %get3A_33 = arith.constant 0 : index
    %get3A_34 = vector.load %arg4[%get3A_32, %get3A_33] : memref<32x32xf32, #tpu.memory_space<vmem>>, vector<32x32xf32>
    %get3A_35 = arith.constant 0 : index
    %get3A_36 = arith.constant 0 : index
    %get3A_37 = vector.load %arg5[%get3A_35, %get3A_36] : memref<1x32xf32, #tpu.memory_space<vmem>>, vector<1x32xf32>
    %dot_general3A = arith.constant dense<0.000000e+00> : vector<1x32xf32>
    %dot_general3A_38 = tpu.matmul %get3A_37, %get3A_31, %dot_general3A {dimension_numbers = #tpu.dot_dimension_numbers<[1], [0], [0], [1], [0, 0, 1, 1], [], []>, transpose_lhs_hint = false} : vector<1x32xf32>, vector<32x32xf32>, vector<1x32xf32> -> vector<1x32xf32>
    %get3A_39 = arith.constant 0 : index
    %get3A_40 = arith.constant 0 : index
    %get3A_41 = vector.load %arg7[%get3A_39, %get3A_40] : memref<1x32xf32, #tpu.memory_space<vmem>>, vector<1x32xf32>
    %add3A_42 = arith.addf %dot_general3A_38, %get3A_41 : vector<1x32xf32>
    %get3A_43 = arith.constant 0 : index
    %get3A_44 = arith.constant 0 : index
    %get3A_45 = vector.load %arg6[%get3A_43, %get3A_44] : memref<1x32xf32, #tpu.memory_space<vmem>>, vector<1x32xf32>
    %dot_general3A_46 = arith.constant dense<0.000000e+00> : vector<1x32xf32>
    %dot_general3A_47 = tpu.matmul %get3A_45, %get3A_34, %dot_general3A_46 {dimension_numbers = #tpu.dot_dimension_numbers<[1], [0], [0], [1], [0, 0, 1, 1], [], []>, transpose_lhs_hint = false} : vector<1x32xf32>, vector<32x32xf32>, vector<1x32xf32> -> vector<1x32xf32>
    %get3A_48 = arith.constant 0 : index
    %get3A_49 = arith.constant 0 : index
    %get3A_50 = vector.load %arg8[%get3A_48, %get3A_49] : memref<1x32xf32, #tpu.memory_space<vmem>>, vector<1x32xf32>
    %add3A_51 = arith.addf %dot_general3A_47, %get3A_50 : vector<1x32xf32>
    %dot_general3A_52 = arith.constant dense<0.000000e+00> : vector<10000x32xf32>
    %dot_general3A_53 = tpu.matmul %slice3A, %get3A_31, %dot_general3A_52 {dimension_numbers = #tpu.dot_dimension_numbers<[1], [0], [0], [1], [0, 0, 1, 1], [], []>, transpose_lhs_hint = false} : vector<10000x32xf32>, vector<32x32xf32>, vector<10000x32xf32> -> vector<10000x32xf32>
    %add3A_54 = vector.broadcast %add3A_42 : vector<1x32xf32> to vector<10000x32xf32>
    %add3A_55 = arith.addf %dot_general3A_53, %add3A_54 : vector<10000x32xf32>
    %logistic3A = arith.negf %add3A_55 : vector<10000x32xf32>
    %logistic3A_56 = math.exp %logistic3A : vector<10000x32xf32>
    %logistic3A_57 = arith.constant 1.000000e+00 : f32
    %logistic3A_58 = vector.broadcast %logistic3A_57 : f32 to vector<10000x32xf32>
    %logistic3A_59 = arith.addf %logistic3A_58, %logistic3A_56 : vector<10000x32xf32>
    %logistic3A_60 = arith.divf %logistic3A_58, %logistic3A_59 : vector<10000x32xf32>
    %dot_general3A_61 = arith.constant dense<0.000000e+00> : vector<10000x32xf32>
    %dot_general3A_62 = tpu.matmul %slice3A_28, %get3A_34, %dot_general3A_61 {dimension_numbers = #tpu.dot_dimension_numbers<[1], [0], [0], [1], [0, 0, 1, 1], [], []>, transpose_lhs_hint = false} : vector<10000x32xf32>, vector<32x32xf32>, vector<10000x32xf32> -> vector<10000x32xf32>
    %add3A_63 = vector.broadcast %add3A_51 : vector<1x32xf32> to vector<10000x32xf32>
    %add3A_64 = arith.addf %dot_general3A_62, %add3A_63 : vector<10000x32xf32>
    %tanh3A = math.tanh %add3A_64 : vector<10000x32xf32>
    %sub3A = arith.constant 1.000000e+00 : f32
    %sub3A_65 = vector.broadcast %sub3A : f32 to vector<10000x32xf32>
    %sub3A_66 = arith.subf %sub3A_65, %logistic3A_60 : vector<10000x32xf32>
    %mul3A_67 = arith.mulf %sub3A_66, %tanh3A : vector<10000x32xf32>
    %get3A_68 = arith.constant 0 : index
    %get3A_69 = arith.constant 0 : index
    %get3A_70 = vector.load %arg9[%get3A_68, %get3A_69] : memref<32x1xf32, #tpu.memory_space<vmem>>, vector<32x1xf32>
    %dot_general3A_71 = arith.constant dense<0.000000e+00> : vector<10000x1xf32>
    %dot_general3A_72 = tpu.matmul %mul3A_67, %get3A_70, %dot_general3A_71 {dimension_numbers = #tpu.dot_dimension_numbers<[1], [0], [0], [1], [0, 0, 1, 1], [], []>, transpose_lhs_hint = false} : vector<10000x32xf32>, vector<32x1xf32>, vector<10000x1xf32> -> vector<10000x1xf32>
    %get3A_73 = arith.constant 0 : index
    %get3A_74 = arith.constant 0 : index
    %get3A_75 = vector.load %arg10[%get3A_73, %get3A_74] : memref<1x1xf32, #tpu.memory_space<vmem>>, vector<1x1xf32>
    %add3A_76 = vector.broadcast %get3A_75 : vector<1x1xf32> to vector<10000x1xf32>
    %add3A_77 = arith.addf %dot_general3A_72, %add3A_76 : vector<10000x1xf32>
    %swap3A = arith.constant 0 : index
    %swap3A_78 = arith.constant 0 : index
    %swap3A_79 = vector.load %arg11[%swap3A, %swap3A_78] : memref<10000x1xf32, #tpu.memory_space<vmem>>, vector<10000x1xf32>
    tpu.vector_store %arg11[%swap3A, %swap3A_78], %add3A_77 {strides = array<i32>} : memref<10000x1xf32, #tpu.memory_space<vmem>>, vector<10000x1xf32>,
    return
  }
}

</mosaic_0001>

<sc_bundles>
// kernel: kernel.6.cloned.1.call-start
scs
__scs_entry_jumppad:
0x0: {  	(pc) =	sbr.rel $0x88, $3  }
0x1: {  	(tag) =	ssettag $0x0;
	lr =	simm.s32 $0x1  }
0x2: {  	[smem:$0x3F95] =	sst lr;
	_ =	strace $0xD0000000  }
0x3: {  	_ = 	snop  }
0x4: {  	_ = 	snop  }
0x5: {  	_ = 	snop  }
0x6: {  	_ = 	snop  }
0x7: {  	_ = 	snop  }
__scs_overlays_trampoline_lowered:
0x8: {  	[smem:$0x3FA4] =	sst s0  }
0x9: {  	[smem:$0x3FA5] =	sst s1  }
0xa: {  	[smem:$0x3FA6] =	sst s2  }
0xb: {  	[smem:$0x3FA7] =	sst s3  }
0xc: {  	[smem:$0x3FA8] =	sst s4  }
0xd: {  	[smem:$0x3FA9] =	sst s5  }
0xe: {  	[smem:$0x3FAA] =	sst s6  }
0xf: {  	[smem:$0x3FAB] =	sst s7  }
0x10: {  	[smem:$0x3FAC] =	sst s8  }
0x11: {  	[smem:$0x3FAD] =	sst s9;
	s0 =	simm.s32 @!p0 $0x0  }
0x12: {  	s1 =	sld [smem:$0x3F93];
	s0 =	simm.s32 @p0 $0x1  }
0x13: {  	[smem:$0x3FAE] =	sst s0;
	s0 =	simm.s32 @!p1 $0x0  }
0x14: {  	s2 =	sld [smem:$0x3F92];
	s0 =	simm.s32 @p1 $0x1  }
0x15: {  	[smem:$0x3FAF] =	sst s0;
	s0 =	simm.s32 @!p2 $0x0  }
0x16: {  	s3 =	sld [smem:$0x3FDB];
	s0 =	simm.s32 @p2 $0x1  }
0x17: {  	s4 =	simm.s32 $0x1BF5;
	[smem:$0x3FB1] =	sst s0  }
0x18: {  	s0 =	sld [smem:$0x3F94];
	_ =	swait.ge [sflag:s4], $0x0  }
0x19: {  	s7 =	sld [smem:$0x3F95]  }
0x1a: {  	s8 =	sadd.s32 $0xFFFFE003, lr  }
0x1b: {  	s9 =	sadd.s32 $0xFFFFFEF7, lr;
	s5 =	simm.s32 $0xFFFFFFFF;
	p2 =	slt.u32 s8, $0xFFFFF086  }
0x1c: {  	p1 =	slt.u32 s9, $0xF7A;
	s5 =	simm.s32 @!p2 $0x0  }
0x1d: {  	s5 =	simm.s32 @p1 $0x1;
	p0 =	seq.s32 s7, s2  }
0x1e: {  	s7 =	smul.u32 @!p0 $0xF7A, s2;
	p2 =	seq.s32 @!p0 s5, $0x0  }
0x1f: {  	s9 =	smul.u32 $0xF7A, s1;
	s8 =	simm.s32 @!p0 $0x1BF5;
	p2 =	por !p2, p0  }
0x20: {  	[sflag:s8] =	ssyncset.s32 @!p0 $0xFFFFF086;
	s6 =	sadd.s32 @!p0 s3, s7;
	s7 =	simm.s32 @!p0 $0x108  }
0x21: {  	s3 =	sadd.s32 s3, s9;
	s6 =	sadd.s32 @!p0 $0x88, s6;
	s7 =	simm.s32 @p2 $0x1082  }
0x22: {  	[simem:s7], [sflag:s8] =	dma.local @!p0 [hbm:s6], $0xF7A  }
0x23: {  	s9 =	sor.u32 $0xD0000000, s2;
	s6 =	simm.s32 $0x108;
	_ =	swait.ge @!p0 [sflag:s8], $0x0  }
0x24: {  	s3 =	sadd.s32 $0x88, s3;
	s6 =	simm.s32 @!p1 $0x1082;
	[sflag:s4] =	ssyncset.s32 $0xFFFFF086  }
0x25: {  	[simem:s6], [sflag:s4] =	dma.local [hbm:s3], $0xF7A  }
0x26: {  	[smem:$0x3F95] =	sst s1;
	(tag) =	ssettag s2;
	_ =	strace s9  }
0x27: {  	s1 =	sld [smem:$0x3FA5]  }
0x28: {  	s2 =	sld [smem:$0x3FA6]  }
0x29: {  	s4 =	sld [smem:$0x3FA8]  }
0x2a: {  	p0 =	seq.s32 s5, $0x0;
	s5 =	sld [smem:$0x3FA9]  }
0x2b: {  	s6 =	sld [smem:$0x3FAA]  }
0x2c: {  	s7 =	sld [smem:$0x3FAB]  }
0x2d: {  	s3 =	simm.s32 $0x108;
	s8 =	sld [smem:$0x3FAC]  }
0x2e: {  	s3 =	simm.s32 @!p0 $0x1082;
	s9 =	sld [smem:$0x3FAD]  }
0x2f: {  	lr =	sadd.s32 s0, s3;
	s0 =	sld [smem:$0x3FA4]  }
0x30: {  	s3 =	sld [smem:$0x3FA7]  }
0x31: {  	[smem:$0x3FB0] =	sst s10  }
0x32: {  	s10 =	sld [smem:$0x3FAE];
	_ =	sdelay $0x3  }
0x33: {  	p0 =	seq.s32 s10, $0x1;
	s10 =	sld [smem:$0x3FB0];
	_ =	sdelay $0x3  }
0x34: {  	[smem:$0x3FB0] =	sst s10  }
0x35: {  	s10 =	sld [smem:$0x3FAF];
	_ =	sdelay $0x3  }
0x36: {  	p1 =	seq.s32 s10, $0x1;
	s10 =	sld [smem:$0x3FB0];
	_ =	sdelay $0x3  }
0x37: {  	[smem:$0x3FB0] =	sst s10  }
0x38: {  	s10 =	sld [smem:$0x3FB1]  }
0x39: {  	_ = 	snop;
	(pc) =	sbr.ind lr, $3  }
0x3a: {  	_ = 	snop  }
0x3b: {  	_ = 	snop  }
0x3c: {  	p2 =	seq.s32 s10, $0x1;
	s10 =	sld [smem:$0x3FB0]  }
0x3d: {  	_ =	shalt  }
0x3e: {  	_ =	shalt  }
0x3f: {  	_ =	shalt  }
0x40: {  	_ =	shalt  }
0x41: {  	_ =	shalt  }
0x42: {  	_ =	shalt  }
0x43: {  	_ =	shalt  }
0x44: {  	_ =	shalt  }
0x45: {  	_ =	shalt  }
0x46: {  	_ =	shalt  }
0x47: {  	_ =	shalt  }
0x48: {  	_ =	shalt  }
0x49: {  	_ =	shalt  }
0x4a: {  	_ =	shalt  }
0x4b: {  	_ =	shalt  }
0x4c: {  	_ =	shalt  }
0x4d: {  	_ =	shalt  }
0x4e: {  	_ =	shalt  }
0x4f: {  	_ =	shalt  }
0x50: {  	_ =	shalt  }
0x51: {  	_ =	shalt  }
0x52: {  	_ =	shalt  }
0x53: {  	_ =	shalt  }
0x54: {  	_ =	shalt  }
0x55: {  	_ =	shalt  }
0x56: {  	_ =	shalt  }
0x57: {  	_ =	shalt  }
0x58: {  	_ =	shalt  }
0x59: {  	_ =	shalt  }
0x5a: {  	_ =	shalt  }
0x5b: {  	_ =	shalt  }
0x5c: {  	_ =	shalt  }
0x5d: {  	_ =	shalt  }
0x5e: {  	_ =	shalt  }
0x5f: {  	_ =	shalt  }
0x60: {  	_ =	shalt  }
0x61: {  	_ =	shalt  }
0x62: {  	_ =	shalt  }
0x63: {  	_ =	shalt  }
0x64: {  	_ =	shalt  }
0x65: {  	_ =	shalt  }
0x66: {  	_ =	shalt  }
0x67: {  	_ =	shalt  }
0x68: {  	_ =	shalt  }
0x69: {  	_ =	shalt  }
0x6a: {  	_ =	shalt  }
0x6b: {  	_ =	shalt  }
0x6c: {  	_ =	shalt  }
0x6d: {  	_ =	shalt  }
0x6e: {  	_ =	shalt  }
0x6f: {  	_ =	shalt  }
0x70: {  	_ =	shalt  }
0x71: {  	_ =	shalt  }
0x72: {  	_ =	shalt  }
0x73: {  	_ =	shalt  }
0x74: {  	_ =	shalt  }
0x75: {  	_ =	shalt  }
0x76: {  	_ =	shalt  }
0x77: {  	_ =	shalt  }
0x78: {  	_ =	shalt  }
0x79: {  	_ =	shalt  }
0x7a: {  	_ =	shalt  }
0x7b: {  	_ =	shalt  }
0x7c: {  	_ =	shalt  }
0x7d: {  	_ =	shalt  }
0x7e: {  	_ =	shalt  }
0x7f: {  	_ =	shalt  }
0x80: {  	_ =	shalt  }
0x81: {  	_ =	shalt  }
0x82: {  	_ =	shalt  }
0x83: {  	_ =	shalt  }
0x84: {  	_ =	shalt  }
0x85: {  	_ =	shalt  }
0x86: {  	_ =	shalt  }
0x87: {  	_ =	shalt  }
.Lfunc_end0:
.L_simem_size_0:
called_computation_lowered:
.L_overlay_start_0:
0x88: {  	s2 =	sld [smem:$0x3FD9]  }
0x89: {  	s3 =	sld [smem:$0x3FFE];
	_ =	sdelay $0x1  }
0x8a: {  	s1 =	srdreg.scid  }
0x8b: {  	s0 =	sand.u32 $0x1, s1  }
0x8c: {  	s17 =	sshll.u32 s0, $0xA;
	s2 =	sadd.s32 s3, s2  }
0x8d: {  	s2 =	sadd.s32 s2, s17  }
0x8e: {  	[smem:$0x3FBC] =	sst s2  }
0x8f: {  	_ = 	snop  }
0x90: {  	s2 =	sld [smem:$0x3FD0];
	(tm) =	ssettm $0x1  }
0x91: {  	s18 =	sld [smem:$0x3FFB];
	_ =	sdelay $0x3  }
0x92: {  	_ =	strace s18  }
0x93: {  	s3 =	sld [smem:$0x3FFC];
	_ =	sdelay $0x3  }
0x94: {  	_ =	strace s3  }
0x95: {  	s3 =	sld [smem:$0x3FFD];
	_ =	sdelay $0x3  }
0x96: {  	_ =	strace s3  }
0x97: {  	_ =	strace $0x8FFFFFFF  }
0x98: {  	s19 =	sld [smem:$0x3FDB];
	_ =	sdelay $0x1  }
0x99: {  	s4 =	simm.s32 $_scs_section_size  }
0x9a: {  	s5 =	simm.s32 $_size__tile_overlayer_lowered;
	s6 =	simm.s32 $_tile_overlayer_lowered  }
0x9b: {  	s22 =	simm.s32 $0x1BFF;
	s21 =	sshll.u32 s6, $0x1;
	s3 =	sadd.s32 s4, s19  }
0x9c: {  	s7 =	simm.s32 $0x0;
	s20 =	sshll.u32 s5, $0x1;
	s5 =	sadd.s32 s21, s3  }
0x9d: {  	[timem:s7], [sflag:s22] =	dma.local [hbm:s5], s20  }
0x9e: {  	_ =	swait.ge [sflag:s22], s20  }
0x9f: {  	s4 =	ssub.s32 $0x0, s20;
	[sflag:s22] =	ssyncset.done $0x0  }
0xa0: {  	[sflag:s22] =	ssyncadd.s32 s4;
	_ =	sdelay $0x1  }
0xa1: {  	s23 =	simm.s32 $0x1B8B  }
0xa2: {  	_ =	swait.ge [sflag:s23], $0x1  }
0xa3: {  	[sflag:s23] =	ssyncset.done $0x0  }
0xa4: {  	s25 =	simm.s32 $0x1B8E;
	s24 =	sld [smem:$0x3FFE];
	[sflag:s23] =	ssyncadd.s32 $0xFFFFFFFF  }
0xa5: {  	s26 =	simm.s32 $execute0_lowered;
	[smem:$0x3FD2] =	sst s25  }
0xa6: {  	s5 =	sshll.u32 s26, $0x1;
	_ =	strace $0x80000046;
	[dreg:$0x1] =	wrdreg $0xFFFFFFFF  }
0xa7: {  	s28 =	simm.s32 $_size_execute0_lowered;
	s3 =	sadd.s32 s3, s5;
	[dreg:$0x0] =	wrdreg $0x0  }
0xa8: {  	s5 =	sshll.u32 s28, $0x1;
	[dreg:$0x2] =	wrdreg s3  }
0xa9: {  	[dreg:$0x3] =	wrdreg s5  }
0xaa: {  	[dreg:$0x4] =	wrdreg $0xC0  }
0xab: {  	_ =	task [dreg:s7], $0x5FFFF  }
0xac: {  	[dreg:$0x1] =	wrdreg $0xFFFFFFFF  }
0xad: {  	[dreg:$0x0] =	wrdreg $0x60  }
0xae: {  	[dreg:$0x2] =	wrdreg s24  }
0xaf: {  	[dreg:$0x3] =	wrdreg s2  }
0xb0: {  	[dreg:$0x4] =	wrdreg $0x1C000  }
0xb1: {  	[dreg:$0x5] =	wrdreg $0x9  }
0xb2: {  	_ =	task.clear_ibuf [dreg:s7], $0x6FFFF;
	_ =	strace $0x90000046  }
0xb3: {  	s29 =	simm.s32 $0x9;
	_ =	strace $0x80000048  }
0xb4: {  	_ =	swait.ge [sflag:s29], $0x1  }
0xb5: {  	[sflag:s29] =	ssyncadd.s32 $0xFFFFFFFF  }
0xb6: {  	_ =	strace $0x90000048  }
0xb7: {  	_ =	sfence  }
0xb8: {  	s30 =	sld [smem:$0x0];
	_ =	sdelay $0x2  }
0xb9: {  	s31 =	sshll.u32 s1, $0xD;
	s1 =	sshrl.u32 s1, $0x2  }
0xba: {  	s3 =	sand.u32 $0x4000, s31;
	s1 =	sadd.s32 s1, s30  }
0xbb: {  	s0 =	sor.u32 s3, s0;
	s1 =	sshll.u32 s1, $0x11  }
0xbc: {  	s0 =	sor.u32 s1, s0  }
0xbd: {  	s0 =	sadd.s32 $0x8F2B, s0  }
0xbe: {  	[sflag:s0] =	ssyncadd.remote.s32 $0x1  }
0xbf: {  	_ =	sfence.sel $0xFFFF  }
0xc0: {  	[dreg:$0x0] =	wrdreg $0xFFFFFFFF;
	(pc) =	sbr.abs _section_cstart, $3  }
0xc1: {  	[dreg:$0x1] =	wrdreg $0xFFFFFFFF  }
0xc2: {  	_ =	task.clear_ibuf [dreg:s7], $0x2FFFF;
	_ =	strace $0x9FFFFFFF  }
0xc3: {  	(tm) =	ssettm $0x7FFFFFFF  }
tec
execute0_lowered:
.L_overlay_start_1:
0x0: {  	(tag) =	ssettag $0x1  }
0x1: {  	s0 =	srdreg.scid;
	s1 =	rddreg [dreg:$0x0]  }
0x2: {  	s9 =	stileid.u32;
	s3 =	rddreg [dreg:$0x2]  }
0x3: {  	s4 =	simm.s32 $0x0;
	s10 =	simm.s32 $0x1400;
	s13 =	simm.s32 $0x80  }
0x4: {  	s15 =	simm.s32 $0xB80;
	s16 =	simm.s32 $0xC00;
	s17 =	simm.s32 $0xC80  }
0x5: {  	s18 =	simm.s32 $0xD00;
	s19 =	simm.s32 $0xD80;
	s20 =	simm.s32 $0xE00  }
0x6: {  	s21 =	simm.s32 $0xE80;
	s22 =	simm.s32 $0xF00;
	s23 =	simm.s32 $0xF80  }
0x7: {  	s28 =	simm.s32 $0x1180;
	s29 =	simm.s32 $0x1200;
	s30 =	simm.s32 $0x1280  }
0x8: {  	s31 =	simm.s32 $0x1300;
	s0 =	sand.u32 $0x1, s0;
	s6 =	smul.u32 $0x13C0, s9  }
0x9: {  	[smem:$0x7FF] =	sst s4;
	s7 =	smul.u32 $0x9E00, s9;
	s26 =	sshll.u32 s9, $0x6  }
0xa: {  	s2 =	sshll.u32 s0, $0x4;
	s5 =	smul.u32 $0x13C00, s0;
	_ =	strace $0x80000047  }
0xb: {  	s0 =	ssub.s32 $0x2, s0;
	s11 =	sor.u32 $0x1C02, s26;
	s26 =	simm.s32 $0x1100  }
0xc: {  	s2 =	sor.u32 s9, s2;
	s24 =	sshrl.u32 s0, $0x1;
	s7 =	sshrl.u32 s7, $0x2  }
0xd: {  	s9 =	simm.s32 $0x2;
	s2 =	smul.u32 $0x280, s2;
	s6 =	sadd.s32 s6, s5  }
0xe: {  	s5 =	sadd.s32 $0xB800, s1;
	s0 =	ssub.s32 s0, s24;
	s25 =	sadd.s32 s7, s3  }
0xf: {  	s24 =	simm.s32 $0x1000;
	s6 =	sshrl.u32 s6, $0x3;
	s8 =	smax.u32 s0, $0x1  }
0x10: {  	s12 =	sshrl.u32 s25, $0x3;
	s25 =	simm.s32 $0x1080;
	s2 =	sadd.s32 s2, s1  }
0x11: {  	s0 =	simm.s32 $0x1;
	s1 =	sadd.s32 s6, s1;
	s6 =	sadd.s32 $0x1800, s2  }
0x12: {  	s7 =	sadd.s32 $0xBA00, s1;
	s1 =	simm.s32 $0x1380;
	s2 =	simm.s32 $0x0  }
.LBB2_1:
0x13: {  	[tilespmem:s4], [sflag:$0x2] =	stream.linear.gather [hbm4b:s6+s4], $0x1400, $0x38;
	[tilespmem:$0x4380] =	vst v63  }
0x14: {  	_ =	swait.ge [sflag:s9], $0x1400  }
0x15: {  	[sflag:s9] =	ssyncset.done $0x0  }
0x16: {  	[sflag:s9] =	ssyncadd.s32 $0xFFFFEC00  }
0x17: {  	[tilespmem:s10], [sflag:$0x2] =	stream.linear.gather [hbm4b:s5+s4], $0x800, $0x38;
	[tilespmem:$0x4380] =	vst v63  }
0x18: {  	_ =	swait.ge [sflag:s9], $0x800  }
0x19: {  	[sflag:s9] =	ssyncset.done $0x0  }
0x1a: {  	[sflag:s9] =	ssyncadd.s32 $0xFFFFF800  }
0x1b: {  	s14 =	rddreg [dreg:$0x1]  }
0x1c: {  	[spmem:s12], [sflag:s11] =	dma.local [hbm:s14], $0x4F0  }
0x1d: {  	_ =	swait.ge [sflag:s9], $0x4F0  }
0x1e: {  	[sflag:s9] =	ssyncset.done $0x0  }
0x1f: {  	[sflag:s9] =	ssyncadd.s32 $0xFFFFFB10  }
0x20: {  	[bflag:$0x0] =	sbarrier.arrive $0xFFFF  }
0x21: {  	[spmem:s3] =	stream.indirect.scatter.add.f32 [tilespmem:s10], [sflag:$0x1], $0x10, s4, s13, $0xb8;
	[tilespmem:$0x4380] =	vst v63  }
0x22: {  	_ = 	snop  }
0x23: {  	[spmem:s3] =	stream.indirect.scatter.add.f32 [tilespmem:s10], [sflag:$0x1], $0x10, s13, s13, $0xb8;
	[tilespmem:$0x4380] =	vst v63  }
0x24: {  	s14 =	simm.s32 $0x100  }
0x25: {  	[spmem:s3] =	stream.indirect.scatter.add.f32 [tilespmem:s10], [sflag:$0x1], $0x10, s14, s13, $0xb8;
	[tilespmem:$0x4380] =	vst v63  }
0x26: {  	s14 =	simm.s32 $0x180  }
0x27: {  	[spmem:s3] =	stream.indirect.scatter.add.f32 [tilespmem:s10], [sflag:$0x1], $0x10, s14, s13, $0xb8;
	[tilespmem:$0x4380] =	vst v63  }
0x28: {  	s14 =	simm.s32 $0x200  }
0x29: {  	[spmem:s3] =	stream.indirect.scatter.add.f32 [tilespmem:s10], [sflag:$0x1], $0x10, s14, s13, $0xb8;
	[tilespmem:$0x4380] =	vst v63  }
0x2a: {  	s14 =	simm.s32 $0x280  }
0x2b: {  	[spmem:s3] =	stream.indirect.scatter.add.f32 [tilespmem:s10], [sflag:$0x1], $0x10, s14, s13, $0xb8;
	[tilespmem:$0x4380] =	vst v63  }
0x2c: {  	s14 =	simm.s32 $0x300  }
0x2d: {  	[spmem:s3] =	stream.indirect.scatter.add.f32 [tilespmem:s10], [sflag:$0x1], $0x10, s14, s13, $0xb8;
	[tilespmem:$0x4380] =	vst v63  }
0x2e: {  	s14 =	simm.s32 $0x380  }
0x2f: {  	[spmem:s3] =	stream.indirect.scatter.add.f32 [tilespmem:s10], [sflag:$0x1], $0x10, s14, s13, $0xb8;
	[tilespmem:$0x4380] =	vst v63  }
0x30: {  	s14 =	simm.s32 $0x400  }
0x31: {  	[spmem:s3] =	stream.indirect.scatter.add.f32 [tilespmem:s10], [sflag:$0x1], $0x10, s14, s13, $0xb8;
	[tilespmem:$0x4380] =	vst v63  }
0x32: {  	s14 =	simm.s32 $0x480  }
0x33: {  	[spmem:s3] =	stream.indirect.scatter.add.f32 [tilespmem:s10], [sflag:$0x1], $0x10, s14, s13, $0xb8;
	[tilespmem:$0x4380] =	vst v63  }
0x34: {  	s14 =	simm.s32 $0x500  }
0x35: {  	[spmem:s3] =	stream.indirect.scatter.add.f32 [tilespmem:s10], [sflag:$0x1], $0x10, s14, s13, $0xb8;
	[tilespmem:$0x4380] =	vst v63  }
0x36: {  	s14 =	simm.s32 $0x580  }
0x37: {  	[spmem:s3] =	stream.indirect.scatter.add.f32 [tilespmem:s10], [sflag:$0x1], $0x10, s14, s13, $0xb8;
	[tilespmem:$0x4380] =	vst v63  }
0x38: {  	s14 =	simm.s32 $0x600  }
0x39: {  	[spmem:s3] =	stream.indirect.scatter.add.f32 [tilespmem:s10], [sflag:$0x1], $0x10, s14, s13, $0xb8;
	[tilespmem:$0x4380] =	vst v63  }
0x3a: {  	s14 =	simm.s32 $0x680  }
0x3b: {  	[spmem:s3] =	stream.indirect.scatter.add.f32 [tilespmem:s10], [sflag:$0x1], $0x10, s14, s13, $0xb8;
	[tilespmem:$0x4380] =	vst v63  }
0x3c: {  	s14 =	simm.s32 $0x700  }
0x3d: {  	[spmem:s3] =	stream.indirect.scatter.add.f32 [tilespmem:s10], [sflag:$0x1], $0x10, s14, s13, $0xb8;
	[tilespmem:$0x4380] =	vst v63  }
0x3e: {  	s14 =	simm.s32 $0x780  }
0x3f: {  	[spmem:s3] =	stream.indirect.scatter.add.f32 [tilespmem:s10], [sflag:$0x1], $0x10, s14, s13, $0xb8;
	[tilespmem:$0x4380] =	vst v63  }
0x40: {  	s14 =	simm.s32 $0x800  }
0x41: {  	[spmem:s3] =	stream.indirect.scatter.add.f32 [tilespmem:s10], [sflag:$0x1], $0x10, s14, s13, $0xb8;
	[tilespmem:$0x4380] =	vst v63  }
0x42: {  	s14 =	simm.s32 $0x880  }
0x43: {  	[spmem:s3] =	stream.indirect.scatter.add.f32 [tilespmem:s10], [sflag:$0x1], $0x10, s14, s13, $0xb8;
	[tilespmem:$0x4380] =	vst v63  }
0x44: {  	s14 =	simm.s32 $0x900  }
0x45: {  	[spmem:s3] =	stream.indirect.scatter.add.f32 [tilespmem:s10], [sflag:$0x1], $0x10, s14, s13, $0xb8;
	[tilespmem:$0x4380] =	vst v63  }
0x46: {  	s14 =	simm.s32 $0x980  }
0x47: {  	[spmem:s3] =	stream.indirect.scatter.add.f32 [tilespmem:s10], [sflag:$0x1], $0x10, s14, s13, $0xb8;
	[tilespmem:$0x4380] =	vst v63  }
0x48: {  	s14 =	simm.s32 $0xA00  }
0x49: {  	[spmem:s3] =	stream.indirect.scatter.add.f32 [tilespmem:s10], [sflag:$0x1], $0x10, s14, s13, $0xb8;
	[tilespmem:$0x4380] =	vst v63  }
0x4a: {  	s14 =	simm.s32 $0xA80  }
0x4b: {  	[spmem:s3] =	stream.indirect.scatter.add.f32 [tilespmem:s10], [sflag:$0x1], $0x10, s14, s13, $0xb8;
	[tilespmem:$0x4380] =	vst v63  }
0x4c: {  	s14 =	simm.s32 $0xB00  }
0x4d: {  	[spmem:s3] =	stream.indirect.scatter.add.f32 [tilespmem:s10], [sflag:$0x1], $0x10, s14, s13, $0xb8;
	[tilespmem:$0x4380] =	vst v63  }
0x4e: {  	_ = 	snop  }
0x4f: {  	[spmem:s3] =	stream.indirect.scatter.add.f32 [tilespmem:s10], [sflag:$0x1], $0x10, s15, s13, $0xb8;
	[tilespmem:$0x4380] =	vst v63  }
0x50: {  	_ = 	snop  }
0x51: {  	[spmem:s3] =	stream.indirect.scatter.add.f32 [tilespmem:s10], [sflag:$0x1], $0x10, s16, s13, $0xb8;
	[tilespmem:$0x4380] =	vst v63  }
0x52: {  	_ = 	snop  }
0x53: {  	[spmem:s3] =	stream.indirect.scatter.add.f32 [tilespmem:s10], [sflag:$0x1], $0x10, s17, s13, $0xb8;
	[tilespmem:$0x4380] =	vst v63  }
0x54: {  	_ = 	snop  }
0x55: {  	[spmem:s3] =	stream.indirect.scatter.add.f32 [tilespmem:s10], [sflag:$0x1], $0x10, s18, s13, $0xb8;
	[tilespmem:$0x4380] =	vst v63  }
0x56: {  	_ = 	snop  }
0x57: {  	[spmem:s3] =	stream.indirect.scatter.add.f32 [tilespmem:s10], [sflag:$0x1], $0x10, s19, s13, $0xb8;
	[tilespmem:$0x4380] =	vst v63  }
0x58: {  	_ = 	snop  }
0x59: {  	[spmem:s3] =	stream.indirect.scatter.add.f32 [tilespmem:s10], [sflag:$0x1], $0x10, s20, s13, $0xb8;
	[tilespmem:$0x4380] =	vst v63  }
0x5a: {  	_ = 	snop  }
0x5b: {  	[spmem:s3] =	stream.indirect.scatter.add.f32 [tilespmem:s10], [sflag:$0x1], $0x10, s21, s13, $0xb8;
	[tilespmem:$0x4380] =	vst v63  }
0x5c: {  	_ = 	snop  }
0x5d: {  	[spmem:s3] =	stream.indirect.scatter.add.f32 [tilespmem:s10], [sflag:$0x1], $0x10, s22, s13, $0xb8;
	[tilespmem:$0x4380] =	vst v63  }
0x5e: {  	_ = 	snop  }
0x5f: {  	[spmem:s3] =	stream.indirect.scatter.add.f32 [tilespmem:s10], [sflag:$0x1], $0x10, s23, s13, $0xb8;
	[tilespmem:$0x4380] =	vst v63  }
0x60: {  	_ = 	snop  }
0x61: {  	[spmem:s3] =	stream.indirect.scatter.add.f32 [tilespmem:s10], [sflag:$0x1], $0x10, s24, s13, $0xb8;
	[tilespmem:$0x4380] =	vst v63  }
0x62: {  	_ = 	snop  }
0x63: {  	[spmem:s3] =	stream.indirect.scatter.add.f32 [tilespmem:s10], [sflag:$0x1], $0x10, s25, s13, $0xb8;
	[tilespmem:$0x4380] =	vst v63  }
0x64: {  	_ = 	snop  }
0x65: {  	[spmem:s3] =	stream.indirect.scatter.add.f32 [tilespmem:s10], [sflag:$0x1], $0x10, s26, s13, $0xb8;
	[tilespmem:$0x4380] =	vst v63  }
0x66: {  	_ = 	snop  }
0x67: {  	[spmem:s3] =	stream.indirect.scatter.add.f32 [tilespmem:s10], [sflag:$0x1], $0x10, s28, s13, $0xb8;
	[tilespmem:$0x4380] =	vst v63  }
0x68: {  	_ = 	snop  }
0x69: {  	[spmem:s3] =	stream.indirect.scatter.add.f32 [tilespmem:s10], [sflag:$0x1], $0x10, s29, s13, $0xb8;
	[tilespmem:$0x4380] =	vst v63  }
0x6a: {  	_ = 	snop  }
0x6b: {  	[spmem:s3] =	stream.indirect.scatter.add.f32 [tilespmem:s10], [sflag:$0x1], $0x10, s30, s13, $0xb8;
	[tilespmem:$0x4380] =	vst v63  }
0x6c: {  	_ = 	snop  }
0x6d: {  	[spmem:s3] =	stream.indirect.scatter.add.f32 [tilespmem:s10], [sflag:$0x1], $0x10, s31, s13, $0xb8;
	[tilespmem:$0x4380] =	vst v63  }
0x6e: {  	_ = 	snop  }
0x6f: {  	[spmem:s3] =	stream.indirect.scatter.add.f32 [tilespmem:s10], [sflag:$0x1], $0x10, s1, s13, $0xb8;
	[tilespmem:$0x4380] =	vst v63  }
0x70: {  	_ =	swait.ge [sflag:s0], $0x800  }
0x71: {  	s14 =	simm.s32 $0x27;
	[sflag:s0] =	ssyncset.done $0x0  }
.LBB2_2:
0x72: {  	p0 =	sne.s32 s14, $0x1;
	s14 =	sadd.s32 $0xFFFFFFFF, s14;
	[sflag:s0] =	ssyncadd.s32 $0xFFFFF800  }
.Ltmp0:
0x73: {  	(pc) =	sbr.rel @p0 .LBB2_2-.Ltmp0, $3  }
0x74: {  	_ =	sdelay $0x1  }
0x75: {  	_ =	swait.ge [sflag:s0], $0x800  }
0x76: {  	[sflag:s0] =	ssyncset.done $0x0  }
0x77: {  	s2 =	sadd.s32 $0x1, s2  }
0x78: {  	[sflag:s0] =	ssyncadd.s32 $0xFFFFF800;
	p0 =	sne.s32 s2, s8  }
.Ltmp1:
0x79: {  	[bflag:$0x0] =	sbarrier.arrive $0xFFFF;
	(pc) =	sbr.rel @p0 .LBB2_1-.Ltmp1, $4  }
0x7a: {  	[hbm:s7@s0], [sflag:s11] =	dma.strided [spmem:s12@s9], $0x278, s0, $0x1   }
0x7b: {  	_ =	swait.ge [sflag:s9], $0x278  }
0x7c: {  	[sflag:s9] =	ssyncset.done $0x0  }
0x7d: {  	[sflag:s9] =	ssyncadd.s32 $0xFFFFFD88  }
0x7e: {  	_ =	sfence.sel $0x180000  }
0x7f: {  	[bflag:$0x0] =	sbarrier.arrive $0xFFFF  }
0x80: {  	_ =	strace $0x90000047  }
0x81: {  	s0 =	stileid.u32;
	[bflag:$0x2] =	sbarrier.arrive $0xFFFF  }
0x82: {  	p0 =	sne.s32 s0, $0x0;
	s0 =	rddreg [dreg:$0x3]  }
0x83: {  	s0 =	sadd.s32 @!p0 $0x100000, s0  }
0x84: {  	[sflag:s0] =	ssyncadd.tile.s32 @!p0 $0x1;
	_ =	shalt  }
.Lfunc_end2:
_tile_overlayer_lowered:
.L_overlay_start_2:
0x85: {  	(tag) =	ssettag $0x2  }
0x86: {  	s0 =	rddreg [dreg:$0x0];
	s2 =	stileid.u32  }
0x87: {  	s1 =	rddreg [dreg:$0x1];
	p0 =	sne.s32 s2, $0x0  }
0x88: {  	s3 =	rddreg [dreg:$0x2];
	[bflag:$0x3] =	sbarrier.arrive $0xFFFF;
	s2 =	simm.s32 @!p0 $0x1C02  }
0x89: {  	[timem:s3], [sflag:s2] =	dma.local @!p0 [hbm:s0], s1  }
0x8a: {  	s0 =	simm.s32 @!p0 $0x2  }
0x8b: {  	_ =	swait.ge @!p0 [sflag:s0], s1  }
0x8c: {  	s1 =	ssub.s32 @!p0 $0x0, s1;
	[sflag:s0] =	ssyncset.done @!p0 $0x0  }
0x8d: {  	[sflag:s0] =	ssyncadd.s32 @!p0 s1  }
0x8e: {  	[bflag:$0x3] =	sbarrier.arrive $0xFFFF  }
0x8f: {  	_ =	shalt  }

// kernel: kernel.9.cloned.1.call-start
scs
__scs_entry_jumppad:
0x0: {  	(pc) =	sbr.rel $0x88, $3  }
0x1: {  	(tag) =	ssettag $0x0;
	lr =	simm.s32 $0x1  }
0x2: {  	[smem:$0x3F95] =	sst lr;
	_ =	strace $0xD0000000  }
0x3: {  	_ = 	snop  }
0x4: {  	_ = 	snop  }
0x5: {  	_ = 	snop  }
0x6: {  	_ = 	snop  }
0x7: {  	_ = 	snop  }
__scs_overlays_trampoline_lowered:
0x8: {  	[smem:$0x3FA4] =	sst s0  }
0x9: {  	[smem:$0x3FA5] =	sst s1  }
0xa: {  	[smem:$0x3FA6] =	sst s2  }
0xb: {  	[smem:$0x3FA7] =	sst s3  }
0xc: {  	[smem:$0x3FA8] =	sst s4  }
0xd: {  	[smem:$0x3FA9] =	sst s5  }
0xe: {  	[smem:$0x3FAA] =	sst s6  }
0xf: {  	[smem:$0x3FAB] =	sst s7  }
0x10: {  	[smem:$0x3FAC] =	sst s8  }
0x11: {  	[smem:$0x3FAD] =	sst s9;
	s0 =	simm.s32 @!p0 $0x0  }
0x12: {  	s1 =	sld [smem:$0x3F93];
	s0 =	simm.s32 @p0 $0x1  }
0x13: {  	[smem:$0x3FAE] =	sst s0;
	s0 =	simm.s32 @!p1 $0x0  }
0x14: {  	s2 =	sld [smem:$0x3F92];
	s0 =	simm.s32 @p1 $0x1  }
0x15: {  	[smem:$0x3FAF] =	sst s0;
	s0 =	simm.s32 @!p2 $0x0  }
0x16: {  	s3 =	sld [smem:$0x3FDB];
	s0 =	simm.s32 @p2 $0x1  }
0x17: {  	s4 =	simm.s32 $0x1BF5;
	[smem:$0x3FB1] =	sst s0  }
0x18: {  	s0 =	sld [smem:$0x3F94];
	_ =	swait.ge [sflag:s4], $0x0  }
0x19: {  	s7 =	sld [smem:$0x3F95]  }
0x1a: {  	s8 =	sadd.s32 $0xFFFFE003, lr  }
0x1b: {  	s9 =	sadd.s32 $0xFFFFFEF7, lr;
	s5 =	simm.s32 $0xFFFFFFFF;
	p2 =	slt.u32 s8, $0xFFFFF086  }
0x1c: {  	p1 =	slt.u32 s9, $0xF7A;
	s5 =	simm.s32 @!p2 $0x0  }
0x1d: {  	s5 =	simm.s32 @p1 $0x1;
	p0 =	seq.s32 s7, s2  }
0x1e: {  	s7 =	smul.u32 @!p0 $0xF7A, s2;
	p2 =	seq.s32 @!p0 s5, $0x0  }
0x1f: {  	s9 =	smul.u32 $0xF7A, s1;
	s8 =	simm.s32 @!p0 $0x1BF5;
	p2 =	por !p2, p0  }
0x20: {  	[sflag:s8] =	ssyncset.s32 @!p0 $0xFFFFF086;
	s6 =	sadd.s32 @!p0 s3, s7;
	s7 =	simm.s32 @!p0 $0x108  }
0x21: {  	s3 =	sadd.s32 s3, s9;
	s6 =	sadd.s32 @!p0 $0x88, s6;
	s7 =	simm.s32 @p2 $0x1082  }
0x22: {  	[simem:s7], [sflag:s8] =	dma.local @!p0 [hbm:s6], $0xF7A  }
0x23: {  	s9 =	sor.u32 $0xD0000000, s2;
	s6 =	simm.s32 $0x108;
	_ =	swait.ge @!p0 [sflag:s8], $0x0  }
0x24: {  	s3 =	sadd.s32 $0x88, s3;
	s6 =	simm.s32 @!p1 $0x1082;
	[sflag:s4] =	ssyncset.s32 $0xFFFFF086  }
0x25: {  	[simem:s6], [sflag:s4] =	dma.local [hbm:s3], $0xF7A  }
0x26: {  	[smem:$0x3F95] =	sst s1;
	(tag) =	ssettag s2;
	_ =	strace s9  }
0x27: {  	s1 =	sld [smem:$0x3FA5]  }
0x28: {  	s2 =	sld [smem:$0x3FA6]  }
0x29: {  	s4 =	sld [smem:$0x3FA8]  }
0x2a: {  	p0 =	seq.s32 s5, $0x0;
	s5 =	sld [smem:$0x3FA9]  }
0x2b: {  	s6 =	sld [smem:$0x3FAA]  }
0x2c: {  	s7 =	sld [smem:$0x3FAB]  }
0x2d: {  	s3 =	simm.s32 $0x108;
	s8 =	sld [smem:$0x3FAC]  }
0x2e: {  	s3 =	simm.s32 @!p0 $0x1082;
	s9 =	sld [smem:$0x3FAD]  }
0x2f: {  	lr =	sadd.s32 s0, s3;
	s0 =	sld [smem:$0x3FA4]  }
0x30: {  	s3 =	sld [smem:$0x3FA7]  }
0x31: {  	[smem:$0x3FB0] =	sst s10  }
0x32: {  	s10 =	sld [smem:$0x3FAE];
	_ =	sdelay $0x3  }
0x33: {  	p0 =	seq.s32 s10, $0x1;
	s10 =	sld [smem:$0x3FB0];
	_ =	sdelay $0x3  }
0x34: {  	[smem:$0x3FB0] =	sst s10  }
0x35: {  	s10 =	sld [smem:$0x3FAF];
	_ =	sdelay $0x3  }
0x36: {  	p1 =	seq.s32 s10, $0x1;
	s10 =	sld [smem:$0x3FB0];
	_ =	sdelay $0x3  }
0x37: {  	[smem:$0x3FB0] =	sst s10  }
0x38: {  	s10 =	sld [smem:$0x3FB1]  }
0x39: {  	_ = 	snop;
	(pc) =	sbr.ind lr, $3  }
0x3a: {  	_ = 	snop  }
0x3b: {  	_ = 	snop  }
0x3c: {  	p2 =	seq.s32 s10, $0x1;
	s10 =	sld [smem:$0x3FB0]  }
0x3d: {  	_ =	shalt  }
0x3e: {  	_ =	shalt  }
0x3f: {  	_ =	shalt  }
0x40: {  	_ =	shalt  }
0x41: {  	_ =	shalt  }
0x42: {  	_ =	shalt  }
0x43: {  	_ =	shalt  }
0x44: {  	_ =	shalt  }
0x45: {  	_ =	shalt  }
0x46: {  	_ =	shalt  }
0x47: {  	_ =	shalt  }
0x48: {  	_ =	shalt  }
0x49: {  	_ =	shalt  }
0x4a: {  	_ =	shalt  }
0x4b: {  	_ =	shalt  }
0x4c: {  	_ =	shalt  }
0x4d: {  	_ =	shalt  }
0x4e: {  	_ =	shalt  }
0x4f: {  	_ =	shalt  }
0x50: {  	_ =	shalt  }
0x51: {  	_ =	shalt  }
0x52: {  	_ =	shalt  }
0x53: {  	_ =	shalt  }
0x54: {  	_ =	shalt  }
0x55: {  	_ =	shalt  }
0x56: {  	_ =	shalt  }
0x57: {  	_ =	shalt  }
0x58: {  	_ =	shalt  }
0x59: {  	_ =	shalt  }
0x5a: {  	_ =	shalt  }
0x5b: {  	_ =	shalt  }
0x5c: {  	_ =	shalt  }
0x5d: {  	_ =	shalt  }
0x5e: {  	_ =	shalt  }
0x5f: {  	_ =	shalt  }
0x60: {  	_ =	shalt  }
0x61: {  	_ =	shalt  }
0x62: {  	_ =	shalt  }
0x63: {  	_ =	shalt  }
0x64: {  	_ =	shalt  }
0x65: {  	_ =	shalt  }
0x66: {  	_ =	shalt  }
0x67: {  	_ =	shalt  }
0x68: {  	_ =	shalt  }
0x69: {  	_ =	shalt  }
0x6a: {  	_ =	shalt  }
0x6b: {  	_ =	shalt  }
0x6c: {  	_ =	shalt  }
0x6d: {  	_ =	shalt  }
0x6e: {  	_ =	shalt  }
0x6f: {  	_ =	shalt  }
0x70: {  	_ =	shalt  }
0x71: {  	_ =	shalt  }
0x72: {  	_ =	shalt  }
0x73: {  	_ =	shalt  }
0x74: {  	_ =	shalt  }
0x75: {  	_ =	shalt  }
0x76: {  	_ =	shalt  }
0x77: {  	_ =	shalt  }
0x78: {  	_ =	shalt  }
0x79: {  	_ =	shalt  }
0x7a: {  	_ =	shalt  }
0x7b: {  	_ =	shalt  }
0x7c: {  	_ =	shalt  }
0x7d: {  	_ =	shalt  }
0x7e: {  	_ =	shalt  }
0x7f: {  	_ =	shalt  }
0x80: {  	_ =	shalt  }
0x81: {  	_ =	shalt  }
0x82: {  	_ =	shalt  }
0x83: {  	_ =	shalt  }
0x84: {  	_ =	shalt  }
0x85: {  	_ =	shalt  }
0x86: {  	_ =	shalt  }
0x87: {  	_ =	shalt  }
.Lfunc_end0:
.L_simem_size_0:
called_computation.1_lowered:
.L_overlay_start_0:
0x88: {  	s2 =	sld [smem:$0x3FD9]  }
0x89: {  	s3 =	sld [smem:$0x3FFE];
	_ =	sdelay $0x1  }
0x8a: {  	s1 =	srdreg.scid  }
0x8b: {  	s0 =	sand.u32 $0x1, s1  }
0x8c: {  	s16 =	sshll.u32 s0, $0xA;
	s2 =	sadd.s32 s3, s2  }
0x8d: {  	s2 =	sadd.s32 s2, s16  }
0x8e: {  	[smem:$0x3FBC] =	sst s2  }
0x8f: {  	_ = 	snop  }
0x90: {  	(tm) =	ssettm $0x1  }
0x91: {  	s17 =	sld [smem:$0x3FFB];
	_ =	sdelay $0x3  }
0x92: {  	_ =	strace s17  }
0x93: {  	s2 =	sld [smem:$0x3FFC];
	_ =	sdelay $0x3  }
0x94: {  	_ =	strace s2  }
0x95: {  	s2 =	sld [smem:$0x3FFD];
	_ =	sdelay $0x3  }
0x96: {  	_ =	strace s2  }
0x97: {  	_ =	strace $0x8FFFFFFF  }
0x98: {  	s18 =	sld [smem:$0x3FDB];
	_ =	sdelay $0x1  }
0x99: {  	s19 =	simm.s32 $_scs_section_size  }
0x9a: {  	s4 =	simm.s32 $_size__tile_overlayer_lowered;
	s5 =	simm.s32 $_tile_overlayer_lowered  }
0x9b: {  	s22 =	simm.s32 $0x1BFF;
	s21 =	sshll.u32 s5, $0x1;
	s2 =	sadd.s32 s19, s18  }
0x9c: {  	s6 =	simm.s32 $0x0;
	s20 =	sshll.u32 s4, $0x1;
	s4 =	sadd.s32 s21, s2  }
0x9d: {  	[timem:s6], [sflag:s22] =	dma.local [hbm:s4], s20  }
0x9e: {  	_ =	swait.ge [sflag:s22], s20  }
0x9f: {  	s3 =	ssub.s32 $0x0, s20;
	[sflag:s22] =	ssyncset.done $0x0  }
0xa0: {  	[sflag:s22] =	ssyncadd.s32 s3;
	_ =	sdelay $0x1  }
0xa1: {  	s23 =	simm.s32 $0x1B8B  }
0xa2: {  	_ =	swait.ge [sflag:s23], $0x1  }
0xa3: {  	[sflag:s23] =	ssyncset.done $0x0  }
0xa4: {  	s25 =	simm.s32 $0x1B8E;
	s24 =	sld [smem:$0x3FFE];
	[sflag:s23] =	ssyncadd.s32 $0xFFFFFFFF  }
0xa5: {  	s26 =	simm.s32 $execute0_lowered;
	[smem:$0x3FD2] =	sst s25  }
0xa6: {  	s4 =	sshll.u32 s26, $0x1;
	_ =	strace $0x80000049;
	[dreg:$0x1] =	wrdreg $0xFFFFFFFF  }
0xa7: {  	s28 =	simm.s32 $_size_execute0_lowered;
	s2 =	sadd.s32 s2, s4;
	[dreg:$0x0] =	wrdreg $0x0  }
0xa8: {  	s4 =	sshll.u32 s28, $0x1;
	[dreg:$0x2] =	wrdreg s2  }
0xa9: {  	[dreg:$0x3] =	wrdreg s4  }
0xaa: {  	[dreg:$0x4] =	wrdreg $0xC0  }
0xab: {  	_ =	task [dreg:s6], $0x5FFFF  }
0xac: {  	[dreg:$0x1] =	wrdreg $0xFFFFFFFF  }
0xad: {  	[dreg:$0x0] =	wrdreg $0x60  }
0xae: {  	[dreg:$0x2] =	wrdreg s24  }
0xaf: {  	[dreg:$0x3] =	wrdreg $0x128000  }
0xb0: {  	[dreg:$0x4] =	wrdreg $0x9  }
0xb1: {  	_ =	task.clear_ibuf [dreg:s6], $0x5FFFF;
	_ =	strace $0x90000049  }
0xb2: {  	s29 =	simm.s32 $0x9;
	_ =	strace $0x8000004B  }
0xb3: {  	_ =	swait.ge [sflag:s29], $0x1  }
0xb4: {  	[sflag:s29] =	ssyncadd.s32 $0xFFFFFFFF  }
0xb5: {  	_ =	strace $0x9000004B  }
0xb6: {  	_ =	sfence  }
0xb7: {  	s30 =	sld [smem:$0x0];
	_ =	sdelay $0x2  }
0xb8: {  	s31 =	sshll.u32 s1, $0xD;
	s1 =	sshrl.u32 s1, $0x2  }
0xb9: {  	s3 =	sand.u32 $0x4000, s31;
	s1 =	sadd.s32 s1, s30  }
0xba: {  	s0 =	sor.u32 s3, s0;
	s1 =	sshll.u32 s1, $0x11  }
0xbb: {  	s0 =	sor.u32 s1, s0  }
0xbc: {  	s0 =	sadd.s32 $0x8F2B, s0  }
0xbd: {  	[sflag:s0] =	ssyncadd.remote.s32 $0x1  }
0xbe: {  	_ =	sfence.sel $0xFFFF  }
0xbf: {  	[dreg:$0x0] =	wrdreg $0xFFFFFFFF;
	(pc) =	sbr.abs _section_cstart, $3  }
0xc0: {  	[dreg:$0x1] =	wrdreg $0xFFFFFFFF  }
0xc1: {  	_ =	task.clear_ibuf [dreg:s6], $0x2FFFF;
	_ =	strace $0x9FFFFFFF  }
0xc2: {  	(tm) =	ssettm $0x7FFFFFFF  }
0xc3: {  	_ =	shalt  }
tec
execute0_lowered:
.L_overlay_start_1:
0x0: {  	(tag) =	ssettag $0x1  }
0x1: {  	s0 =	srdreg.scid;
	s6 =	rddreg [dreg:$0x0]  }
0x2: {  	s11 =	stileid.u32;
	s2 =	rddreg [dreg:$0x1];
	s3 =	simm.s32 $0x0  }
0x3: {  	s10 =	simm.s32 $0x5;
	s14 =	simm.s32 $0x80;
	s15 =	simm.s32 $0x2800  }
0x4: {  	s16 =	simm.s32 $0x4800;
	s18 =	simm.s32 $0x6800;
	s20 =	simm.s32 $0x8800  }
0x5: {  	s21 =	simm.s32 $0xA800;
	s22 =	simm.s32 $0xC800;
	s28 =	simm.s32 $0x2  }
0x6: {  	s29 =	simm.s32 $0x4;
	s30 =	simm.s32 $0x0;
	s0 =	sand.u32 $0x1, s0  }
0x7: {  	s8 =	smul.u32 $0x9E00, s11;
	[smem:$0x7FF] =	sst s3;
	s23 =	sadd.s32 $0xB800, s6  }
0x8: {  	s31 =	sshll.u32 s11, $0x6;
	s1 =	sshll.u32 s0, $0x4;
	s4 =	smul.u32 $0x9E000, s0  }
0x9: {  	_ =	strace $0x8000004A;
	s0 =	ssub.s32 $0x2, s0;
	[dreg:$0x3] =	wrdreg s23  }
0xa: {  	s12 =	sor.u32 $0x1C05, s31;
	s23 =	simm.s32 $0xE800;
	s1 =	sor.u32 s11, s1  }
0xb: {  	s24 =	sshrl.u32 s0, $0x1;
	s26 =	sadd.s32 s8, s2;
	s1 =	smul.u32 $0x280, s1  }
0xc: {  	s5 =	sadd.s32 s8, s4;
	s4 =	sadd.s32 $0x5FA00, s6;
	s0 =	ssub.s32 s0, s24  }
0xd: {  	s13 =	sshrl.u32 s26, $0x3;
	s24 =	simm.s32 $0x10800;
	s7 =	sshrl.u32 s5, $0x3  }
0xe: {  	s26 =	simm.s32 $0x3;
	s1 =	sadd.s32 s1, s6;
	s9 =	sadd.s32 s7, s6  }
0xf: {  	s25 =	sadd.s32 $0x6800, s1;
	s7 =	sadd.s32 $0x1800, s1;
	s8 =	sadd.s32 $0x73400, s9  }
0x10: {  	s9 =	smax.u32 s0, $0x1;
	[dreg:$0x4] =	wrdreg s25;
	s25 =	simm.s32 $0x1  }
.LBB2_1:
0x11: {  	s0 =	rddreg [dreg:$0x4]  }
0x12: {  	[tilespmem:s3], [sflag:$0x5] =	stream.linear.gather [hbm4b:s0+s3], $0x1400, $0x38;
	[tilespmem:$0x1C600] =	vst v63  }
0x13: {  	_ =	swait.ge [sflag:s10], $0x1400  }
0x14: {  	[sflag:s10] =	ssyncset.done $0x0  }
0x15: {  	s11 =	simm.s32 $0x1400;
	[sflag:s10] =	ssyncadd.s32 $0xFFFFEC00  }
0x16: {  	[tilespmem:s11], [sflag:$0x5] =	stream.linear.gather [hbm4b:s7+s3], $0x1400, $0x38;
	[tilespmem:$0x1C600] =	vst v63  }
0x17: {  	_ =	swait.ge [sflag:s10], $0x1400  }
0x18: {  	[sflag:s10] =	ssyncset.done $0x0  }
0x19: {  	s17 =	rddreg [dreg:$0x3];
	[sflag:s10] =	ssyncadd.s32 $0xFFFFEC00  }
0x1a: {  	[spmem:s13], [sflag:s12] =	dma.local [hbm:s17], $0x13C0  }
0x1b: {  	_ =	swait.ge [sflag:s10], $0x13C0  }
0x1c: {  	[sflag:s10] =	ssyncset.done $0x0  }
0x1d: {  	[sflag:s10] =	ssyncadd.s32 $0xFFFFEC40  }
0x1e: {  	[bflag:$0x0] =	sbarrier.arrive $0xFFFF  }
0x1f: {  	[tilespmem:s15], [sflag:$0x1] =	stream.indirect.gather [hbm4b:s4+s14], $0x40, s3, s14, $0xb8;
	[tilespmem:$0x1C600] =	vst v63  }
0x20: {  	p0 =	por $0x1, $0x1  }
0x21: {  	[tilespmem:s16], [sflag:$0x1] =	stream.indirect.gather [hbm4b:s4+s14], $0x40, s14, s14, $0xb8;
	[tilespmem:$0x1C600] =	vst v63  }
0x22: {  	s19 =	simm.s32 $0x100;
	p0 =	por p0, p0  }
0x23: {  	[tilespmem:s18], [sflag:$0x1] =	stream.indirect.gather [hbm4b:s4+s14], $0x40, s19, s14, $0xb8;
	[tilespmem:$0x1C600] =	vst v63  }
0x24: {  	s1 =	simm.s32 $0x180;
	s0 =	simm.s32 @!p0 $0x4  }
0x25: {  	[tilespmem:s20], [sflag:$0x1] =	stream.indirect.gather [hbm4b:s4+s14], $0x40, s1, s14, $0xb8;
	[tilespmem:$0x1C600] =	vst v63  }
0x26: {  	_ =	swait.ge @!p0 [sflag:s0], $0x2000  }
0x27: {  	[sflag:s0] =	ssyncset.done @!p0 $0x0  }
0x28: {  	[sflag:s0] =	ssyncadd.s32 @!p0 $0xFFFFE000  }
0x29: {  	_ =	swait.ge @!p0 [sflag:s0], $0x2000  }
0x2a: {  	[sflag:s0] =	ssyncset.done @!p0 $0x0  }
0x2b: {  	[sflag:s0] =	ssyncadd.s32 @!p0 $0xFFFFE000  }
0x2c: {  	_ =	swait.ge @!p0 [sflag:s0], $0x2000  }
0x2d: {  	[sflag:s0] =	ssyncset.done @!p0 $0x0  }
0x2e: {  	[sflag:s0] =	ssyncadd.s32 @!p0 $0xFFFFE000  }
0x2f: {  	_ =	swait.ge @!p0 [sflag:s0], $0x2000  }
0x30: {  	[sflag:s0] =	ssyncset.done @!p0 $0x0  }
0x31: {  	s5 =	simm.s32 $0x200;
	[sflag:s0] =	ssyncadd.s32 @!p0 $0xFFFFE000  }
0x32: {  	[tilespmem:s21], [sflag:$0x2] =	stream.indirect.gather [hbm4b:s4+s14], $0x40, s5, s14, $0xb8;
	[tilespmem:$0x1C600] =	vst v63  }
0x33: {  	s6 =	simm.s32 $0x280  }
0x34: {  	[tilespmem:s22], [sflag:$0x2] =	stream.indirect.gather [hbm4b:s4+s14], $0x40, s6, s14, $0xb8;
	[tilespmem:$0x1C600] =	vst v63  }
0x35: {  	s11 =	simm.s32 $0x300  }
0x36: {  	[tilespmem:s23], [sflag:$0x2] =	stream.indirect.gather [hbm4b:s4+s14], $0x40, s11, s14, $0xb8;
	[tilespmem:$0x1C600] =	vst v63  }
0x37: {  	s17 =	simm.s32 $0x380  }
0x38: {  	[tilespmem:s24], [sflag:$0x2] =	stream.indirect.gather [hbm4b:s4+s14], $0x40, s17, s14, $0xb8;
	[tilespmem:$0x1C600] =	vst v63  }
0x39: {  	_ =	swait.ge [sflag:s25], $0x2000  }
0x3a: {  	[sflag:s25] =	ssyncset.done $0x0  }
0x3b: {  	[sflag:s25] =	ssyncadd.s32 $0xFFFFE000  }
0x3c: {  	_ =	swait.ge [sflag:s25], $0x2000  }
0x3d: {  	[sflag:s25] =	ssyncset.done $0x0  }
0x3e: {  	[sflag:s25] =	ssyncadd.s32 $0xFFFFE000  }
0x3f: {  	_ =	swait.ge [sflag:s25], $0x2000  }
0x40: {  	[sflag:s25] =	ssyncset.done $0x0  }
0x41: {  	[sflag:s25] =	ssyncadd.s32 $0xFFFFE000  }
0x42: {  	_ =	swait.ge [sflag:s25], $0x2000  }
0x43: {  	[sflag:s25] =	ssyncset.done $0x0  }
0x44: {  	s19 =	simm.s32 $0x1400;
	[sflag:s25] =	ssyncadd.s32 $0xFFFFE000  }
0x45: {  	[spmem:s2] =	stream.indirect.scatter.add.f32 [tilespmem:s15], [sflag:$0x3], $0x40, s19, s14, $0xb8;
	[tilespmem:$0x1C600] =	vst v63  }
0x46: {  	s1 =	simm.s32 $0x1480  }
0x47: {  	[spmem:s2] =	stream.indirect.scatter.add.f32 [tilespmem:s16], [sflag:$0x3], $0x40, s1, s14, $0xb8;
	[tilespmem:$0x1C600] =	vst v63  }
0x48: {  	s5 =	simm.s32 $0x1500  }
0x49: {  	[spmem:s2] =	stream.indirect.scatter.add.f32 [tilespmem:s18], [sflag:$0x3], $0x40, s5, s14, $0xb8;
	[tilespmem:$0x1C600] =	vst v63  }
0x4a: {  	s6 =	simm.s32 $0x1580  }
0x4b: {  	[spmem:s2] =	stream.indirect.scatter.add.f32 [tilespmem:s20], [sflag:$0x3], $0x40, s6, s14, $0xb8;
	[tilespmem:$0x1C600] =	vst v63  }
0x4c: {  	_ =	swait.ge [sflag:s26], $0x2000  }
0x4d: {  	[sflag:s26] =	ssyncset.done $0x0  }
0x4e: {  	[sflag:s26] =	ssyncadd.s32 $0xFFFFE000  }
0x4f: {  	_ =	swait.ge [sflag:s26], $0x2000  }
0x50: {  	[sflag:s26] =	ssyncset.done $0x0  }
0x51: {  	[sflag:s26] =	ssyncadd.s32 $0xFFFFE000  }
0x52: {  	_ =	swait.ge [sflag:s26], $0x2000  }
0x53: {  	[sflag:s26] =	ssyncset.done $0x0  }
0x54: {  	[sflag:s26] =	ssyncadd.s32 $0xFFFFE000  }
0x55: {  	p0 =	por $0x0, $0x0;
	_ =	swait.ge [sflag:s26], $0x2000  }
0x56: {  	s0 =	simm.s32 @!p0 $0x2800;
	[sflag:s26] =	ssyncset.done $0x0  }
0x57: {  	s11 =	simm.s32 @!p0 $0x80;
	s1 =	simm.s32 @!p0 $0x400;
	[sflag:s26] =	ssyncadd.s32 $0xFFFFE000  }
0x58: {  	[tilespmem:s0], [sflag:$0x1] =	stream.indirect.gather @!p0 [hbm4b:s4+s11], $0x40, s1, s11, $0xb8;
	[tilespmem:$0x1C600] =	vst v63  }
0x59: {  	s0 =	simm.s32 @!p0 $0x480;
	s1 =	simm.s32 @!p0 $0x4800  }
0x5a: {  	[tilespmem:s1], [sflag:$0x1] =	stream.indirect.gather @!p0 [hbm4b:s4+s11], $0x40, s0, s11, $0xb8;
	[tilespmem:$0x1C600] =	vst v63  }
0x5b: {  	s0 =	simm.s32 @!p0 $0x500;
	s1 =	simm.s32 @!p0 $0x6800  }
0x5c: {  	[tilespmem:s1], [sflag:$0x1] =	stream.indirect.gather @!p0 [hbm4b:s4+s11], $0x40, s0, s11, $0xb8;
	[tilespmem:$0x1C600] =	vst v63  }
0x5d: {  	s0 =	simm.s32 @!p0 $0x580;
	s1 =	simm.s32 @!p0 $0x8800  }
0x5e: {  	[tilespmem:s1], [sflag:$0x1] =	stream.indirect.gather @!p0 [hbm4b:s4+s11], $0x40, s0, s11, $0xb8;
	[tilespmem:$0x1C600] =	vst v63  }
0x5f: {  	_ =	swait.ge [sflag:s28], $0x2000  }
0x60: {  	[sflag:s28] =	ssyncset.done $0x0  }
0x61: {  	[sflag:s28] =	ssyncadd.s32 $0xFFFFE000  }
0x62: {  	_ =	swait.ge [sflag:s28], $0x2000  }
0x63: {  	[sflag:s28] =	ssyncset.done $0x0  }
0x64: {  	[sflag:s28] =	ssyncadd.s32 $0xFFFFE000  }
0x65: {  	_ =	swait.ge [sflag:s28], $0x2000  }
0x66: {  	[sflag:s28] =	ssyncset.done $0x0  }
0x67: {  	[sflag:s28] =	ssyncadd.s32 $0xFFFFE000  }
0x68: {  	_ =	swait.ge [sflag:s28], $0x2000  }
0x69: {  	[sflag:s28] =	ssyncset.done $0x0  }
0x6a: {  	s31 =	simm.s32 $0x1000;
	s11 =	simm.s32 $0x1600;
	[sflag:s28] =	ssyncadd.s32 $0xFFFFE000  }
0x6b: {  	[spmem:s2] =	stream.indirect.scatter.add.f32 [tilespmem:s21], [sflag:$0x4], $0x40, s11, s14, $0xb8;
	[tilespmem:$0x1C600] =	vst v63  }
0x6c: {  	p6 =	por $0x0, $0x0;
	s17 =	simm.s32 $0x1680;
	s19 =	simm.s32 $0x1700  }
0x6d: {  	[spmem:s2] =	stream.indirect.scatter.add.f32 [tilespmem:s22], [sflag:$0x4], $0x40, s17, s14, $0xb8;
	[tilespmem:$0x1C600] =	vst v63  }
0x6e: {  	s1 =	simm.s32 $0x2000;
	p0 =	por p6, p6;
	s0 =	simm.s32 $0x1780  }
0x6f: {  	[spmem:s2] =	stream.indirect.scatter.add.f32 [tilespmem:s23], [sflag:$0x4], $0x40, s19, s14, $0xb8;
	[tilespmem:$0x1C600] =	vst v63  }
.LBB2_2:
0x70: {  	[spmem:s2] =	stream.indirect.scatter.add.f32 [tilespmem:s24], [sflag:$0x4], $0x40, s0, s14, $0xb8;
	[tilespmem:$0x1C600] =	vst v63  }
0x71: {  	s11 =	smov.u32 s1  }
0x72: {  	s1 =	sadd.s32 $0x1000, s1;
	s17 =	simm.s32 @!p0 $0x4;
	p2 =	seq.s32 s11, $0x0  }
0x73: {  	p1 =	sne.s32 s1, $0x5000;
	_ =	swait.ge @!p0 [sflag:s17], $0x2000  }
0x74: {  	[sflag:s17] =	ssyncset.done @!p0 $0x0  }
0x75: {  	[sflag:s17] =	ssyncadd.s32 @!p0 $0xFFFFE000  }
0x76: {  	_ =	swait.ge @!p0 [sflag:s17], $0x2000  }
0x77: {  	[sflag:s17] =	ssyncset.done @!p0 $0x0  }
0x78: {  	[sflag:s17] =	ssyncadd.s32 @!p0 $0xFFFFE000  }
0x79: {  	_ =	swait.ge @!p0 [sflag:s17], $0x2000  }
0x7a: {  	[sflag:s17] =	ssyncset.done @!p0 $0x0  }
0x7b: {  	[sflag:s17] =	ssyncadd.s32 @!p0 $0xFFFFE000  }
0x7c: {  	_ =	swait.ge @!p0 [sflag:s17], $0x2000  }
0x7d: {  	s0 =	sshra.s32 s31, $0x2;
	[sflag:s17] =	ssyncset.done @!p0 $0x0  }
0x7e: {  	[sflag:s17] =	ssyncadd.s32 @!p0 $0xFFFFE000;
	s17 =	sadd.s32 $0x200, s0;
	p0 =	por p2, p2  }
0x7f: {  	[tilespmem:s21], [sflag:$0x2] =	stream.indirect.gather [hbm4b:s4+s14], $0x40, s17, s14, $0xb8;
	[tilespmem:$0x1C600] =	vst v63  }
0x80: {  	s17 =	sadd.s32 $0x280, s0  }
0x81: {  	[tilespmem:s22], [sflag:$0x2] =	stream.indirect.gather [hbm4b:s4+s14], $0x40, s17, s14, $0xb8;
	[tilespmem:$0x1C600] =	vst v63  }
0x82: {  	s17 =	sadd.s32 $0x300, s0  }
0x83: {  	[tilespmem:s23], [sflag:$0x2] =	stream.indirect.gather [hbm4b:s4+s14], $0x40, s17, s14, $0xb8;
	[tilespmem:$0x1C600] =	vst v63  }
0x84: {  	s17 =	sadd.s32 $0x380, s0  }
0x85: {  	[tilespmem:s24], [sflag:$0x2] =	stream.indirect.gather [hbm4b:s4+s14], $0x40, s17, s14, $0xb8;
	[tilespmem:$0x1C600] =	vst v63  }
0x86: {  	_ =	swait.ge [sflag:s25], $0x2000  }
0x87: {  	[sflag:s25] =	ssyncset.done $0x0  }
0x88: {  	[sflag:s25] =	ssyncadd.s32 $0xFFFFE000  }
0x89: {  	_ =	swait.ge [sflag:s25], $0x2000  }
0x8a: {  	[sflag:s25] =	ssyncset.done $0x0  }
0x8b: {  	[sflag:s25] =	ssyncadd.s32 $0xFFFFE000  }
0x8c: {  	_ =	swait.ge [sflag:s25], $0x2000  }
0x8d: {  	[sflag:s25] =	ssyncset.done $0x0  }
0x8e: {  	[sflag:s25] =	ssyncadd.s32 $0xFFFFE000  }
0x8f: {  	_ =	swait.ge [sflag:s25], $0x2000  }
0x90: {  	[sflag:s25] =	ssyncset.done $0x0  }
0x91: {  	s17 =	sadd.s32 $0x1400, s0;
	[sflag:s25] =	ssyncadd.s32 $0xFFFFE000  }
0x92: {  	[spmem:s2] =	stream.indirect.scatter.add.f32 [tilespmem:s15], [sflag:$0x3], $0x40, s17, s14, $0xb8;
	[tilespmem:$0x1C600] =	vst v63  }
0x93: {  	s17 =	sadd.s32 $0x1480, s0  }
0x94: {  	[spmem:s2] =	stream.indirect.scatter.add.f32 [tilespmem:s16], [sflag:$0x3], $0x40, s17, s14, $0xb8;
	[tilespmem:$0x1C600] =	vst v63  }
0x95: {  	s17 =	sadd.s32 $0x1500, s0  }
0x96: {  	[spmem:s2] =	stream.indirect.scatter.add.f32 [tilespmem:s18], [sflag:$0x3], $0x40, s17, s14, $0xb8;
	[tilespmem:$0x1C600] =	vst v63  }
0x97: {  	s17 =	sadd.s32 $0x1580, s0  }
0x98: {  	[spmem:s2] =	stream.indirect.scatter.add.f32 [tilespmem:s20], [sflag:$0x3], $0x40, s17, s14, $0xb8;
	[tilespmem:$0x1C600] =	vst v63  }
0x99: {  	_ =	swait.ge [sflag:s26], $0x2000  }
0x9a: {  	[sflag:s26] =	ssyncset.done $0x0  }
0x9b: {  	[sflag:s26] =	ssyncadd.s32 $0xFFFFE000  }
0x9c: {  	_ =	swait.ge [sflag:s26], $0x2000  }
0x9d: {  	[sflag:s26] =	ssyncset.done $0x0  }
0x9e: {  	[sflag:s26] =	ssyncadd.s32 $0xFFFFE000  }
0x9f: {  	_ =	swait.ge [sflag:s26], $0x2000  }
0xa0: {  	[sflag:s26] =	ssyncset.done $0x0  }
0xa1: {  	[sflag:s26] =	ssyncadd.s32 $0xFFFFE000  }
0xa2: {  	p2 =	seq.s32 s31, $0x4000;
	_ =	swait.ge [sflag:s26], $0x2000  }
0xa3: {  	s17 =	sshra.s32 @!p2 s31, $0x2;
	s31 =	simm.s32 @!p2 $0x2800;
	[sflag:s26] =	ssyncset.done $0x0  }
0xa4: {  	s5 =	simm.s32 @!p2 $0x80;
	s19 =	sadd.s32 @!p2 $0x400, s17;
	[sflag:s26] =	ssyncadd.s32 $0xFFFFE000  }
0xa5: {  	[tilespmem:s31], [sflag:$0x1] =	stream.indirect.gather @!p2 [hbm4b:s4+s5], $0x40, s19, s5, $0xb8;
	[tilespmem:$0x1C600] =	vst v63  }
0xa6: {  	s6 =	sadd.s32 @!p2 $0x500, s17;
	s19 =	sadd.s32 @!p2 $0x480, s17;
	s31 =	simm.s32 @!p2 $0x4800  }
0xa7: {  	[tilespmem:s31], [sflag:$0x1] =	stream.indirect.gather @!p2 [hbm4b:s4+s5], $0x40, s19, s5, $0xb8;
	[tilespmem:$0x1C600] =	vst v63  }
0xa8: {  	s17 =	sadd.s32 @!p2 $0x580, s17;
	s19 =	simm.s32 @!p2 $0x6800;
	s31 =	smov.u32 s11  }
0xa9: {  	[tilespmem:s19], [sflag:$0x1] =	stream.indirect.gather @!p2 [hbm4b:s4+s5], $0x40, s6, s5, $0xb8;
	[tilespmem:$0x1C600] =	vst v63  }
0xaa: {  	s6 =	simm.s32 @!p2 $0x8800  }
0xab: {  	[tilespmem:s6], [sflag:$0x1] =	stream.indirect.gather @!p2 [hbm4b:s4+s5], $0x40, s17, s5, $0xb8;
	[tilespmem:$0x1C600] =	vst v63  }
0xac: {  	_ =	swait.ge [sflag:s28], $0x2000  }
0xad: {  	[sflag:s28] =	ssyncset.done $0x0  }
0xae: {  	[sflag:s28] =	ssyncadd.s32 $0xFFFFE000  }
0xaf: {  	_ =	swait.ge [sflag:s28], $0x2000  }
0xb0: {  	[sflag:s28] =	ssyncset.done $0x0  }
0xb1: {  	[sflag:s28] =	ssyncadd.s32 $0xFFFFE000  }
0xb2: {  	_ =	swait.ge [sflag:s28], $0x2000  }
0xb3: {  	[sflag:s28] =	ssyncset.done $0x0  }
0xb4: {  	[sflag:s28] =	ssyncadd.s32 $0xFFFFE000  }
0xb5: {  	_ =	swait.ge [sflag:s28], $0x2000  }
0xb6: {  	[sflag:s28] =	ssyncset.done $0x0  }
0xb7: {  	s5 =	sadd.s32 $0x1600, s0;
	[sflag:s28] =	ssyncadd.s32 $0xFFFFE000  }
0xb8: {  	[spmem:s2] =	stream.indirect.scatter.add.f32 [tilespmem:s21], [sflag:$0x4], $0x40, s5, s14, $0xb8;
	[tilespmem:$0x1C600] =	vst v63  }
.Ltmp0:
0xb9: {  	s5 =	sadd.s32 $0x1680, s0;
	(pc) =	sbr.rel @p1 .LBB2_2-.Ltmp0, $4  }
0xba: {  	[spmem:s2] =	stream.indirect.scatter.add.f32 [tilespmem:s22], [sflag:$0x4], $0x40, s5, s14, $0xb8;
	[tilespmem:$0x1C600] =	vst v63  }
0xbb: {  	s5 =	sadd.s32 $0x1700, s0  }
0xbc: {  	[spmem:s2] =	stream.indirect.scatter.add.f32 [tilespmem:s23], [sflag:$0x4], $0x40, s5, s14, $0xb8;
	[tilespmem:$0x1C600] =	vst v63  }
0xbd: {  	s0 =	sadd.s32 $0x1780, s0  }
0xbe: {  	[spmem:s2] =	stream.indirect.scatter.add.f32 [tilespmem:s24], [sflag:$0x4], $0x40, s0, s14, $0xb8;
	[tilespmem:$0x1C600] =	vst v63  }
0xbf: {  	s1 =	simm.s32 @!p0 $0x4  }
0xc0: {  	_ =	swait.ge @!p0 [sflag:s1], $0x2000  }
0xc1: {  	[sflag:s1] =	ssyncset.done @!p0 $0x0  }
0xc2: {  	[sflag:s1] =	ssyncadd.s32 @!p0 $0xFFFFE000  }
0xc3: {  	_ =	swait.ge @!p0 [sflag:s1], $0x2000  }
0xc4: {  	[sflag:s1] =	ssyncset.done @!p0 $0x0  }
0xc5: {  	[sflag:s1] =	ssyncadd.s32 @!p0 $0xFFFFE000  }
0xc6: {  	_ =	swait.ge @!p0 [sflag:s1], $0x2000  }
0xc7: {  	[sflag:s1] =	ssyncset.done @!p0 $0x0  }
0xc8: {  	[sflag:s1] =	ssyncadd.s32 @!p0 $0xFFFFE000  }
0xc9: {  	_ =	swait.ge @!p0 [sflag:s1], $0x2000  }
0xca: {  	s0 =	sshra.s32 s31, $0x2;
	[sflag:s1] =	ssyncset.done @!p0 $0x0  }
0xcb: {  	s5 =	sadd.s32 $0x200, s0;
	[sflag:s1] =	ssyncadd.s32 @!p0 $0xFFFFE000  }
0xcc: {  	[tilespmem:s21], [sflag:$0x2] =	stream.indirect.gather [hbm4b:s4+s14], $0x40, s5, s14, $0xb8;
	[tilespmem:$0x1C600] =	vst v63  }
0xcd: {  	s6 =	sadd.s32 $0x280, s0  }
0xce: {  	[tilespmem:s22], [sflag:$0x2] =	stream.indirect.gather [hbm4b:s4+s14], $0x40, s6, s14, $0xb8;
	[tilespmem:$0x1C600] =	vst v63  }
0xcf: {  	s11 =	sadd.s32 $0x300, s0  }
0xd0: {  	[tilespmem:s23], [sflag:$0x2] =	stream.indirect.gather [hbm4b:s4+s14], $0x40, s11, s14, $0xb8;
	[tilespmem:$0x1C600] =	vst v63  }
0xd1: {  	s17 =	sadd.s32 $0x380, s0  }
0xd2: {  	[tilespmem:s24], [sflag:$0x2] =	stream.indirect.gather [hbm4b:s4+s14], $0x40, s17, s14, $0xb8;
	[tilespmem:$0x1C600] =	vst v63  }
0xd3: {  	_ =	swait.ge [sflag:s25], $0x2000  }
0xd4: {  	[sflag:s25] =	ssyncset.done $0x0  }
0xd5: {  	[sflag:s25] =	ssyncadd.s32 $0xFFFFE000  }
0xd6: {  	_ =	swait.ge [sflag:s25], $0x2000  }
0xd7: {  	[sflag:s25] =	ssyncset.done $0x0  }
0xd8: {  	[sflag:s25] =	ssyncadd.s32 $0xFFFFE000  }
0xd9: {  	_ =	swait.ge [sflag:s25], $0x2000  }
0xda: {  	[sflag:s25] =	ssyncset.done $0x0  }
0xdb: {  	[sflag:s25] =	ssyncadd.s32 $0xFFFFE000  }
0xdc: {  	_ =	swait.ge [sflag:s25], $0x2000  }
0xdd: {  	[sflag:s25] =	ssyncset.done $0x0  }
0xde: {  	s19 =	sadd.s32 $0x1400, s0;
	[sflag:s25] =	ssyncadd.s32 $0xFFFFE000  }
0xdf: {  	[spmem:s2] =	stream.indirect.scatter.add.f32 [tilespmem:s15], [sflag:$0x3], $0x40, s19, s14, $0xb8;
	[tilespmem:$0x1C600] =	vst v63  }
0xe0: {  	s5 =	sadd.s32 $0x1480, s0  }
0xe1: {  	[spmem:s2] =	stream.indirect.scatter.add.f32 [tilespmem:s16], [sflag:$0x3], $0x40, s5, s14, $0xb8;
	[tilespmem:$0x1C600] =	vst v63  }
0xe2: {  	s6 =	sadd.s32 $0x1500, s0  }
0xe3: {  	[spmem:s2] =	stream.indirect.scatter.add.f32 [tilespmem:s18], [sflag:$0x3], $0x40, s6, s14, $0xb8;
	[tilespmem:$0x1C600] =	vst v63  }
0xe4: {  	s11 =	sadd.s32 $0x1580, s0  }
0xe5: {  	[spmem:s2] =	stream.indirect.scatter.add.f32 [tilespmem:s20], [sflag:$0x3], $0x40, s11, s14, $0xb8;
	[tilespmem:$0x1C600] =	vst v63  }
0xe6: {  	_ =	swait.ge [sflag:s26], $0x2000  }
0xe7: {  	[sflag:s26] =	ssyncset.done $0x0  }
0xe8: {  	[sflag:s26] =	ssyncadd.s32 $0xFFFFE000  }
0xe9: {  	_ =	swait.ge [sflag:s26], $0x2000  }
0xea: {  	[sflag:s26] =	ssyncset.done $0x0  }
0xeb: {  	[sflag:s26] =	ssyncadd.s32 $0xFFFFE000  }
0xec: {  	_ =	swait.ge [sflag:s26], $0x2000  }
0xed: {  	[sflag:s26] =	ssyncset.done $0x0  }
0xee: {  	[sflag:s26] =	ssyncadd.s32 $0xFFFFE000  }
0xef: {  	p0 =	seq.s32 s31, $0x4000;
	_ =	swait.ge [sflag:s26], $0x2000  }
0xf0: {  	s1 =	sshra.s32 @!p0 s31, $0x2;
	s5 =	simm.s32 @!p0 $0x2800;
	[sflag:s26] =	ssyncset.done $0x0  }
0xf1: {  	s6 =	sadd.s32 @!p0 $0x400, s1;
	s11 =	simm.s32 @!p0 $0x80;
	[sflag:s26] =	ssyncadd.s32 $0xFFFFE000  }
0xf2: {  	[tilespmem:s5], [sflag:$0x1] =	stream.indirect.gather @!p0 [hbm4b:s4+s11], $0x40, s6, s11, $0xb8;
	[tilespmem:$0x1C600] =	vst v63  }
0xf3: {  	s5 =	sadd.s32 @!p0 $0x480, s1;
	s6 =	simm.s32 @!p0 $0x4800  }
0xf4: {  	[tilespmem:s6], [sflag:$0x1] =	stream.indirect.gather @!p0 [hbm4b:s4+s11], $0x40, s5, s11, $0xb8;
	[tilespmem:$0x1C600] =	vst v63  }
0xf5: {  	s5 =	sadd.s32 @!p0 $0x500, s1;
	s6 =	simm.s32 @!p0 $0x6800  }
0xf6: {  	[tilespmem:s6], [sflag:$0x1] =	stream.indirect.gather @!p0 [hbm4b:s4+s11], $0x40, s5, s11, $0xb8;
	[tilespmem:$0x1C600] =	vst v63  }
0xf7: {  	s1 =	sadd.s32 @!p0 $0x580, s1;
	s5 =	simm.s32 @!p0 $0x8800  }
0xf8: {  	[tilespmem:s5], [sflag:$0x1] =	stream.indirect.gather @!p0 [hbm4b:s4+s11], $0x40, s1, s11, $0xb8;
	[tilespmem:$0x1C600] =	vst v63  }
0xf9: {  	_ =	swait.ge [sflag:s28], $0x2000  }
0xfa: {  	[sflag:s28] =	ssyncset.done $0x0  }
0xfb: {  	[sflag:s28] =	ssyncadd.s32 $0xFFFFE000  }
0xfc: {  	_ =	swait.ge [sflag:s28], $0x2000  }
0xfd: {  	[sflag:s28] =	ssyncset.done $0x0  }
0xfe: {  	[sflag:s28] =	ssyncadd.s32 $0xFFFFE000  }
0xff: {  	_ =	swait.ge [sflag:s28], $0x2000  }
0x100: {  	[sflag:s28] =	ssyncset.done $0x0  }
0x101: {  	[sflag:s28] =	ssyncadd.s32 $0xFFFFE000  }
0x102: {  	_ =	swait.ge [sflag:s28], $0x2000  }
0x103: {  	[sflag:s28] =	ssyncset.done $0x0  }
0x104: {  	s17 =	sadd.s32 $0x1600, s0;
	[sflag:s28] =	ssyncadd.s32 $0xFFFFE000  }
0x105: {  	[spmem:s2] =	stream.indirect.scatter.add.f32 [tilespmem:s21], [sflag:$0x4], $0x40, s17, s14, $0xb8;
	[tilespmem:$0x1C600] =	vst v63  }
0x106: {  	s19 =	sadd.s32 $0x1680, s0  }
0x107: {  	[spmem:s2] =	stream.indirect.scatter.add.f32 [tilespmem:s22], [sflag:$0x4], $0x40, s19, s14, $0xb8;
	[tilespmem:$0x1C600] =	vst v63  }
0x108: {  	s31 =	sadd.s32 $0x1700, s0  }
0x109: {  	[spmem:s2] =	stream.indirect.scatter.add.f32 [tilespmem:s23], [sflag:$0x4], $0x40, s31, s14, $0xb8;
	[tilespmem:$0x1C600] =	vst v63  }
0x10a: {  	s0 =	sadd.s32 $0x1780, s0  }
0x10b: {  	[spmem:s2] =	stream.indirect.scatter.add.f32 [tilespmem:s24], [sflag:$0x4], $0x40, s0, s14, $0xb8;
	[tilespmem:$0x1C600] =	vst v63  }
0x10c: {  	_ =	swait.ge [sflag:s29], $0x2000  }
0x10d: {  	[sflag:s29] =	ssyncset.done $0x0  }
0x10e: {  	[sflag:s29] =	ssyncadd.s32 $0xFFFFE000  }
0x10f: {  	_ =	swait.ge [sflag:s29], $0x2000  }
0x110: {  	[sflag:s29] =	ssyncset.done $0x0  }
0x111: {  	[sflag:s29] =	ssyncadd.s32 $0xFFFFE000  }
0x112: {  	_ =	swait.ge [sflag:s29], $0x2000  }
0x113: {  	[sflag:s29] =	ssyncset.done $0x0  }
0x114: {  	[sflag:s29] =	ssyncadd.s32 $0xFFFFE000  }
0x115: {  	_ =	swait.ge [sflag:s29], $0x2000  }
0x116: {  	s30 =	sadd.s32 $0x1, s30;
	[sflag:s29] =	ssyncset.done $0x0  }
0x117: {  	p0 =	sne.s32 s30, s9;
	[sflag:s29] =	ssyncadd.s32 $0xFFFFE000  }
.Ltmp1:
0x118: {  	[bflag:$0x0] =	sbarrier.arrive $0xFFFF;
	(pc) =	sbr.rel @p0 .LBB2_1-.Ltmp1, $4  }
0x119: {  	[hbm:s8], [sflag:s12] =	dma.local [spmem:s13], $0x13C0  }
0x11a: {  	_ =	swait.ge [sflag:s10], $0x13C0  }
0x11b: {  	[sflag:s10] =	ssyncset.done $0x0  }
0x11c: {  	[sflag:s10] =	ssyncadd.s32 $0xFFFFEC40  }
0x11d: {  	_ =	sfence.sel $0x180000  }
0x11e: {  	[bflag:$0x0] =	sbarrier.arrive $0xFFFF  }
0x11f: {  	_ =	strace $0x9000004A  }
0x120: {  	s0 =	stileid.u32;
	[bflag:$0x2] =	sbarrier.arrive $0xFFFF  }
0x121: {  	p0 =	sne.s32 s0, $0x0;
	s0 =	rddreg [dreg:$0x2]  }
0x122: {  	s0 =	sadd.s32 @!p0 $0x100000, s0  }
0x123: {  	[sflag:s0] =	ssyncadd.tile.s32 @!p0 $0x1;
	_ =	shalt  }
.Lfunc_end2:
_tile_overlayer_lowered:
.L_overlay_start_2:
0x124: {  	(tag) =	ssettag $0x2  }
0x125: {  	s0 =	rddreg [dreg:$0x0];
	s2 =	stileid.u32  }
0x126: {  	s1 =	rddreg [dreg:$0x1];
	p0 =	sne.s32 s2, $0x0  }
0x127: {  	s3 =	rddreg [dreg:$0x2];
	[bflag:$0x3] =	sbarrier.arrive $0xFFFF;
	s2 =	simm.s32 @!p0 $0x1C05  }
0x128: {  	[timem:s3], [sflag:s2] =	dma.local @!p0 [hbm:s0], s1  }
0x129: {  	s0 =	simm.s32 @!p0 $0x5  }
0x12a: {  	_ =	swait.ge @!p0 [sflag:s0], s1  }
0x12b: {  	s1 =	ssub.s32 @!p0 $0x0, s1;
	[sflag:s0] =	ssyncset.done @!p0 $0x0  }
0x12c: {  	[sflag:s0] =	ssyncadd.s32 @!p0 s1  }
0x12d: {  	[bflag:$0x3] =	sbarrier.arrive $0xFFFF  }
0x12e: {  	_ =	shalt  }

</sc_bundles>
